<compile_context>
chip_gen: v7x
topology: tpu7x:2x2x1
jax: 0.10.2.dev20260603
libtpu: 0.0.44.dev20260713+nightly
codegen_flags: <defaults>
</compile_context>

<pallas_src>
import numpy as np
import jax
import jax.numpy as jnp
from jax import lax
from jax.experimental import pallas as pl
from jax.experimental.pallas import tpu as pltpu
from jax.experimental.pallas import tpu_sc as plsc

NRP = 208
NW = 32
CH = 1568
NSLOT = 10016
NBB = 128
SFLAT = 16704
PQ = 144


def _prep_kernel(relaug_ref, waug_ref, fcw_ref, fixt_ref, gt_ref, vt_ref):
    f = fcw_ref[0:1, :]
    for j in range(6):
        wj = waug_ref[32 * j:32 * j + 32, :]
        vt_ref[j:j + 1, :] = jax.lax.dot_general(
            f, wj, (((1,), (0,)), ((), ())))
    f40 = jnp.concatenate([f, jnp.zeros((1, 8), jnp.float32)], axis=1)
    vt_ref[6:7, :] = f40
    vt_ref[7:8, :] = jnp.zeros((1, 40), jnp.float32)
    gt8 = jax.lax.dot_general(
        vt_ref[...], relaug_ref[...], (((1,), (1,)), ((), ())))
    gt_ref[...] = jax.lax.dot_general(
        fixt_ref[...], gt8, (((1,), (0,)), ((), ())))


def _finish_kernel(parts_ref, out_ref):
    out_ref[...] = jnp.sum(parts_ref[...], axis=0, keepdims=True)


def _make_sc_body(n_edges):
    n_full = n_edges // CH
    rem = n_edges - n_full * CH

    def body(ei_h, typ_h, u_h, v_h, lbl_h, gt_h, fill_h, fcb_h, out_h,
             slot_u, slot_v, gt_v, src_v, dst_v, typ_v, uv_v, vv_v, lbl_v,
             fcb_v, sp, sq, ss, part_v, sem):
        c = lax.axis_index("c")
        s = lax.axis_index("s")
        wid = s * 2 + c
        base = wid * CH
        hs = [pltpu.async_copy(fill_h, slot_u, sem),
              pltpu.async_copy(fill_h, slot_v, sem),
              pltpu.async_copy(u_h, uv_v, sem),
              pltpu.async_copy(v_h, vv_v, sem),
              pltpu.async_copy(lbl_h, lbl_v, sem),
              pltpu.async_copy(gt_h, gt_v, sem),
              pltpu.async_copy(fcb_h, fcb_v, sem)]

        nv16 = lax.select(wid < n_full, CH // 16, rem // 16)

        @pl.when(wid < n_full)
        def _copy_full():
            pltpu.sync_copy(ei_h.at[pl.ds(base, CH)], src_v)
            pltpu.sync_copy(ei_h.at[pl.ds(n_edges + base, CH)], dst_v)
            pltpu.sync_copy(typ_h.at[pl.ds(base, CH)], typ_v)

        if rem:
            @pl.when(wid == n_full)
            def _copy_tail():
                pltpu.sync_copy(ei_h.at[pl.ds(base, rem)],
                                src_v.at[pl.ds(0, rem)])
                pltpu.sync_copy(ei_h.at[pl.ds(n_edges + base, rem)],
                                dst_v.at[pl.ds(0, rem)])
                pltpu.sync_copy(typ_h.at[pl.ds(base, rem)],
                                typ_v.at[pl.ds(0, rem)])

        for h in hs:
            h.wait()

        zf = jnp.zeros((16,), jnp.float32)
        iota16 = lax.broadcasted_iota(jnp.int32, (16,), 0)

        for k in range(PQ // 16):
            sp[pl.ds(k * 16, 16)] = zf
            sq[pl.ds(k * 16, 16)] = zf

        for k in range(NBB // 16):
            ub = uv_v[pl.ds(k * 16, 16)]
            vb = vv_v[pl.ds(k * 16, 16)]
            plsc.store_scatter(slot_u, [ub], iota16 + (k * 16))
            plsc.store_scatter(slot_v, [vb], iota16 + (k * 16))

        for k in range(NBB // 16):
            ub = uv_v[pl.ds(k * 16, 16)]
            vb = vv_v[pl.ds(k * 16, 16)]
            su_b = plsc.load_gather(slot_u, [ub])
            sv_b = plsc.load_gather(slot_v, [vb])
            plsc.store_scatter(ss, [su_b * 129 + sv_b], zf)

        def scatter16(off):
            s16 = src_v[pl.ds(off, 16)]
            d16 = dst_v[pl.ds(off, 16)]
            t16 = typ_v[pl.ds(off, 16)]
            su_s = plsc.load_gather(slot_u, [s16])
            su_d = plsc.load_gather(slot_u, [d16])
            sv_s = plsc.load_gather(slot_v, [s16])
            sv_d = plsc.load_gather(slot_v, [d16])
            m_us = su_s < NBB
            m_ud = su_d < NBB
            m_vs = sv_s < NBB
            m_vd = sv_d < NBB
            g0 = plsc.load_gather(gt_v, [t16])
            g1 = plsc.load_gather(gt_v, [t16 + NRP])
            g2 = plsc.load_gather(gt_v, [t16 + 2 * NRP])
            g3 = plsc.load_gather(gt_v, [t16 + 3 * NRP])
            g4 = plsc.load_gather(gt_v, [t16 + 4 * NRP])
            g5 = plsc.load_gather(gt_v, [t16 + 5 * NRP])
            plsc.addupdate_scatter(sp, [su_d], g0, mask=m_ud)
            plsc.addupdate_scatter(sp, [su_s], g1, mask=m_us)
            plsc.addupdate_scatter(sq, [sv_d], g2, mask=m_vd)
            plsc.addupdate_scatter(sq, [sv_s], g3, mask=m_vs)
            plsc.addupdate_scatter(ss, [su_s * 129 + sv_d], g4,
                                   mask=m_us & m_vd)
            plsc.addupdate_scatter(ss, [su_d * 129 + sv_s], g5,
                                   mask=m_ud & m_vs)

        def edge_step4(i, carry):
            scatter16(i * 64)
            scatter16(i * 64 + 16)
            scatter16(i * 64 + 32)
            scatter16(i * 64 + 48)
            return carry
        lax.fori_loop(0, nv16 // 4, edge_step4, 0)

        def edge_step1(i, carry):
            scatter16(i * 16)
            return carry
        lax.fori_loop((nv16 // 4) * 4, nv16, edge_step1, 0)

        rflag = (wid == 0).astype(jnp.float32)
        for k in range(NBB // 16):
            ub = uv_v[pl.ds(k * 16, 16)]
            vb = vv_v[pl.ds(k * 16, 16)]
            lb = lbl_v[pl.ds(k * 16, 16)]
            su_b = plsc.load_gather(slot_u, [ub])
            sv_b = plsc.load_gather(slot_v, [vb])
            pv = plsc.load_gather(sp, [su_b])
            qv = plsc.load_gather(sq, [sv_b])
            sv = plsc.load_gather(ss, [su_b * 129 + sv_b])
            rterm = plsc.load_gather(gt_v, [lb + 6 * NRP])
            fcb_sp = plsc.load_gather(fcb_v, [iota16 * 0])
            part_v[pl.ds(k * 16, 16)] = (pv + qv + sv
                                         + (rterm + fcb_sp) * rflag)
        pltpu.sync_copy(part_v, out_h.at[wid])
    return body


def kernel(edge_index, edge_type, target_u, target_v, rel_labels,
           rel_emb_weight, W_reld2, b_reld2, fc_W, fc_b):
    e0 = edge_type.shape[0]
    eflat = edge_index.astype(jnp.int32).reshape(-1)
    typ = edge_type.astype(jnp.int32)
    fill = jnp.asarray(np.full((NSLOT,), NBB, np.int32))
    u1 = target_u.astype(jnp.int32)
    v1 = target_v.astype(jnp.int32)
    l1 = rel_labels.astype(jnp.int32)
    nr = rel_emb_weight.shape[0]
    relaug = jnp.pad(
        jnp.concatenate([rel_emb_weight,
                         jnp.ones((nr, 1), jnp.float32)], axis=1),
        ((0, NRP - nr), (0, 7)))
    waug = jnp.concatenate(
        [W_reld2, b_reld2[:, :, None],
         jnp.zeros((6, 32, 7), jnp.float32)], axis=2).reshape(192, 40)
    fcwp = jnp.pad(fc_W, ((0, 7), (0, 0)))
    fix = np.eye(8, dtype=np.float32)
    fix[1, 4] = fix[2, 4] = -1.0
    fix[0, 5] = fix[3, 5] = -1.0
    fixt = jnp.asarray(fix.T)

    gt = pl.pallas_call(
        _prep_kernel,
        in_specs=[
            pl.BlockSpec((NRP, 40), lambda: (0, 0)),
            pl.BlockSpec((192, 40), lambda: (0, 0)),
            pl.BlockSpec((8, 32), lambda: (0, 0)),
            pl.BlockSpec((8, 8), lambda: (0, 0)),
        ],
        out_specs=pl.BlockSpec((8, NRP), lambda: (0, 0)),
        out_shape=jax.ShapeDtypeStruct((8, NRP), jnp.float32),
        scratch_shapes=[pltpu.VMEM((8, 40), jnp.float32)],
    )(relaug, waug, fcwp, fixt)
    gtflat = gt.reshape(8 * NRP)

    mesh = plsc.VectorSubcoreMesh(core_axis_name="c", subcore_axis_name="s")
    parts = pl.kernel(
        _make_sc_body(e0),
        out_type=jax.ShapeDtypeStruct((NW, NBB), jnp.float32),
        mesh=mesh,
        compiler_params=pltpu.CompilerParams(needs_layout_passes=False),
        scratch_types=[
            pltpu.VMEM((NSLOT,), jnp.int32),
            pltpu.VMEM((NSLOT,), jnp.int32),
            pltpu.VMEM((8 * NRP,), jnp.float32),
            pltpu.VMEM((CH,), jnp.int32),
            pltpu.VMEM((CH,), jnp.int32),
            pltpu.VMEM((CH,), jnp.int32),
            pltpu.VMEM((NBB,), jnp.int32),
            pltpu.VMEM((NBB,), jnp.int32),
            pltpu.VMEM((NBB,), jnp.int32),
            pltpu.VMEM((1,), jnp.float32),
            pltpu.VMEM((PQ,), jnp.float32),
            pltpu.VMEM((PQ,), jnp.float32),
            pltpu.VMEM((SFLAT,), jnp.float32),
            pltpu.VMEM((NBB,), jnp.float32),
            pltpu.SemaphoreType.DMA,
        ],
    )(eflat, typ, u1, v1, l1, gtflat, fill, fc_b)

    out = pl.pallas_call(
        _finish_kernel,
        in_specs=[
            pl.BlockSpec((NW, NBB), lambda: (0, 0)),
        ],
        out_specs=pl.BlockSpec((1, NBB), lambda: (0, 0)),
        out_shape=jax.ShapeDtypeStruct((1, NBB), jnp.float32),
    )(parts)
    return out.reshape(NBB, 1)

# --- scband reference (transcript-rebuilt; emitter-appended) ---
"""Pipeline reference for scband-rmpi-7550552506743 (READ-ONLY COPY).

The authoritative reference and input builder live on the scoring server;
editing this copy changes nothing except your own understanding.
"""

import jax, jax.numpy as jnp
import numpy as np

NUM_NODES = 10000
NUM_REL = 200
REL_DIM = 32
E = 50000
B = 128


def setup_inputs(seed: int = 0):
    key = jax.random.key(seed)
    ks = jax.random.split(key, 12)
    edge_index = jax.random.randint(ks[0], (2, E), 0, NUM_NODES)
    edge_type = jax.random.randint(ks[1], (E,), 0, NUM_REL)
    target_u = jax.random.randint(ks[2], (B,), 0, NUM_NODES)
    target_v = jax.random.randint(ks[3], (B,), 0, NUM_NODES)
    rel_labels = jax.random.randint(ks[4], (B,), 0, NUM_REL)
    rel_emb_weight = jax.random.normal(ks[5], (NUM_REL, REL_DIM), dtype=jnp.float32)
    lim = 1.0 / np.sqrt(REL_DIM)
    W_reld2 = jax.random.uniform(ks[6], (6, REL_DIM, REL_DIM), minval=-lim, maxval=lim, dtype=jnp.float32)
    b_reld2 = jax.random.uniform(ks[7], (6, REL_DIM), minval=-lim, maxval=lim, dtype=jnp.float32)
    fc_W = jax.random.uniform(ks[8], (1, REL_DIM), minval=-lim, maxval=lim, dtype=jnp.float32)
    fc_b = jax.random.uniform(ks[9], (1,), minval=-lim, maxval=lim, dtype=jnp.float32)
    return {"edge_index": edge_index, "edge_type": edge_type, "target_u": target_u,
            "target_v": target_v, "rel_labels": rel_labels, "rel_emb_weight": rel_emb_weight,
            "W_reld2": W_reld2, "b_reld2": b_reld2, "fc_W": fc_W, "fc_b": fc_b}


def reference(edge_index, edge_type, target_u, target_v, rel_labels,
              rel_emb_weight, W_reld2, b_reld2, fc_W, fc_b):
    # AggregateConv (aggr_flag=1, edge_dropout=0 -> identity drop mask).
    src = edge_index[0]  # edge head node ids [E]
    dst = edge_index[1]  # edge tail node ids [E]
    # Incidence matrices [B, E]: matrix[b, e] = 1 iff edge e is in/out edge of target node.
    # (equivalent to the torch sparse_coo [num_nodes, num_edges] then row-select by u/v nodes)
    in_edge_out = (dst[None, :] == target_u[:, None]).astype(jnp.float32)
    out_edge_out = (src[None, :] == target_u[:, None]).astype(jnp.float32)
    in_edge_in = (dst[None, :] == target_v[:, None]).astype(jnp.float32)
    out_edge_in = (src[None, :] == target_v[:, None]).astype(jnp.float32)
    edge_mode_5 = out_edge_out * in_edge_in
    edge_mode_6 = in_edge_out * out_edge_in
    out_edge_out = out_edge_out - edge_mode_5
    in_edge_in = in_edge_in - edge_mode_5
    in_edge_out = in_edge_out - edge_mode_6
    out_edge_in = out_edge_in - edge_mode_6
    # h1 = rel_emb(edge types)  (embedding gather)
    h1 = jnp.take(rel_emb_weight, edge_type, axis=0)  # [E, d]
    edge_connect_l = [in_edge_out, out_edge_out, in_edge_in, out_edge_in, edge_mode_5, edge_mode_6]
    agg = jnp.zeros((target_u.shape[0], rel_emb_weight.shape[1]), dtype=jnp.float32)
    for i in range(6):
        proj = h1 @ W_reld2[i].T + b_reld2[i]          # fc_reld2[i](h1)
        agg = agg + edge_connect_l[i] @ proj            # torch.sparse.mm equivalent
    # combine with target relation embedding and score
    g_rep = agg + jnp.take(rel_emb_weight, rel_labels, axis=0)
    output = g_rep @ fc_W.T + fc_b                      # [B, 1]
    return output

if __name__ == "__main__":
    import jax
    _d = setup_inputs()
    print(jax.jit(kernel)(*tuple(_d.values())))

</pallas_src>

<mosaic_0001>
#map = affine_map<(d0, d1) -> (0)>
#map1 = affine_map<(d0, d1) -> (0, 0)>
module attributes {stable_mosaic.version = 14 : i64} {
  func.func @body(%arg0: i32, %arg1: i32, %arg2: memref<100000xi32, #tpu.memory_space<hbm>>, %arg3: memref<50000xi32, #tpu.memory_space<hbm>>, %arg4: memref<128xi32, #tpu.memory_space<hbm>>, %arg5: memref<128xi32, #tpu.memory_space<hbm>>, %arg6: memref<128xi32, #tpu.memory_space<hbm>>, %arg7: memref<1664xf32, #tpu.memory_space<hbm>>, %arg8: memref<10016xi32, #tpu.memory_space<hbm>>, %arg9: memref<1xf32, #tpu.memory_space<hbm>>, %arg10: memref<32x128xf32, #tpu.memory_space<hbm>>, %arg11: memref<10016xi32, #tpu.memory_space<vmem>>, %arg12: memref<10016xi32, #tpu.memory_space<vmem>>, %arg13: memref<1664xf32, #tpu.memory_space<vmem>>, %arg14: memref<1568xi32, #tpu.memory_space<vmem>>, %arg15: memref<1568xi32, #tpu.memory_space<vmem>>, %arg16: memref<1568xi32, #tpu.memory_space<vmem>>, %arg17: memref<128xi32, #tpu.memory_space<vmem>>, %arg18: memref<128xi32, #tpu.memory_space<vmem>>, %arg19: memref<128xi32, #tpu.memory_space<vmem>>, %arg20: memref<1xf32, #tpu.memory_space<vmem>>, %arg21: memref<144xf32, #tpu.memory_space<vmem>>, %arg22: memref<144xf32, #tpu.memory_space<vmem>>, %arg23: memref<16704xf32, #tpu.memory_space<vmem>>, %arg24: memref<128xf32, #tpu.memory_space<vmem>>, %arg25: memref<!tpu.dma_semaphore, #tpu.memory_space<semaphore_mem>>) attributes {dimension_semantics = [#tpu.dimension_semantics<core_parallel>, #tpu.dimension_semantics<subcore_parallel>], iteration_bounds = array<i64: 2, 16>, scalar_prefetch = 0 : i64, scratch_operands = 15 : i64, tpu.core_type = #tpu.core_type<sc_vector_subcore>, window_params = [{transform_indices = #map}, {transform_indices = #map}, {transform_indices = #map}, {transform_indices = #map}, {transform_indices = #map}, {transform_indices = #map}, {transform_indices = #map}, {transform_indices = #map}, {transform_indices = #map1}]} {
    %mul3A = arith.constant 2 : i32
    %mul3A_0 = arith.muli %arg1, %mul3A : i32
    %add3A = arith.addi %mul3A_0, %arg0 : i32
    %mul3A_1 = arith.constant 1568 : i32
    %mul3A_2 = arith.muli %add3A, %mul3A_1 : i32
    tpu.enqueue_dma source(%arg8 : memref<10016xi32, #tpu.memory_space<hbm>>) target(%arg11 : memref<10016xi32, #tpu.memory_space<vmem>>) target_semaphore(%arg25 : memref<!tpu.dma_semaphore, #tpu.memory_space<semaphore_mem>>)
    tpu.enqueue_dma source(%arg8 : memref<10016xi32, #tpu.memory_space<hbm>>) target(%arg12 : memref<10016xi32, #tpu.memory_space<vmem>>) target_semaphore(%arg25 : memref<!tpu.dma_semaphore, #tpu.memory_space<semaphore_mem>>)
    tpu.enqueue_dma source(%arg4 : memref<128xi32, #tpu.memory_space<hbm>>) target(%arg17 : memref<128xi32, #tpu.memory_space<vmem>>) target_semaphore(%arg25 : memref<!tpu.dma_semaphore, #tpu.memory_space<semaphore_mem>>)
    tpu.enqueue_dma source(%arg5 : memref<128xi32, #tpu.memory_space<hbm>>) target(%arg18 : memref<128xi32, #tpu.memory_space<vmem>>) target_semaphore(%arg25 : memref<!tpu.dma_semaphore, #tpu.memory_space<semaphore_mem>>)
    tpu.enqueue_dma source(%arg6 : memref<128xi32, #tpu.memory_space<hbm>>) target(%arg19 : memref<128xi32, #tpu.memory_space<vmem>>) target_semaphore(%arg25 : memref<!tpu.dma_semaphore, #tpu.memory_space<semaphore_mem>>)
    tpu.enqueue_dma source(%arg7 : memref<1664xf32, #tpu.memory_space<hbm>>) target(%arg13 : memref<1664xf32, #tpu.memory_space<vmem>>) target_semaphore(%arg25 : memref<!tpu.dma_semaphore, #tpu.memory_space<semaphore_mem>>)
    tpu.enqueue_dma source(%arg9 : memref<1xf32, #tpu.memory_space<hbm>>) target(%arg20 : memref<1xf32, #tpu.memory_space<vmem>>) target_semaphore(%arg25 : memref<!tpu.dma_semaphore, #tpu.memory_space<semaphore_mem>>)
    %lt3A = arith.constant 31 : i32
    %lt3A_3 = arith.cmpi slt, %add3A, %lt3A : i32
    %select_n3A = arith.constant 87 : i32
    %select_n3A_4 = arith.constant 98 : i32
    %select_n3A_5 = arith.select %lt3A_3, %select_n3A_4, %select_n3A : i32
    %lt3A_6 = arith.constant 31 : i32
    %lt3A_7 = arith.cmpi slt, %add3A, %lt3A_6 : i32
    %convert_element_type3A = arith.extui %lt3A_7 : i1 to i32
    %cond3A = arith.constant 0 : i32
    %cond3A_8 = arith.cmpi ne, %convert_element_type3A, %cond3A : i32
    scf.if %cond3A_8 {
      "tpu.region"() ({
        %run_scoped3A = tpu.sem_alloc : memref<!tpu.dma_semaphore, #tpu.memory_space<semaphore_mem>>
        %dma_start3A = tpu.memref_slice %arg2[%mul3A_2] : memref<100000xi32, #tpu.memory_space<hbm>> -> memref<1568xi32, #tpu.memory_space<hbm>>
        %dma_start3A_522 = tpu.memref_slice %arg2[%mul3A_2] : memref<100000xi32, #tpu.memory_space<hbm>> -> memref<1568xi32, #tpu.memory_space<hbm>>
        tpu.enqueue_dma source(%dma_start3A_522 : memref<1568xi32, #tpu.memory_space<hbm>>) target(%arg14 : memref<1568xi32, #tpu.memory_space<vmem>>) target_semaphore(%run_scoped3A : memref<!tpu.dma_semaphore, #tpu.memory_space<semaphore_mem>>)
        %dma_wait3A = tpu.memref_slice %arg2[%mul3A_2] : memref<100000xi32, #tpu.memory_space<hbm>> -> memref<1568xi32, #tpu.memory_space<hbm>>
        %dma_wait3A_523 = tpu.memref_slice %arg2[%mul3A_2] : memref<100000xi32, #tpu.memory_space<hbm>> -> memref<1568xi32, #tpu.memory_space<hbm>>
        tpu.wait_dma2 semaphore(%run_scoped3A : memref<!tpu.dma_semaphore, #tpu.memory_space<semaphore_mem>>) src(%dma_wait3A_523 : memref<1568xi32, #tpu.memory_space<hbm>>) dst(%arg14 : memref<1568xi32, #tpu.memory_space<vmem>>)
        tpu.yield
      }) : () -> ()
      %add3A_520 = arith.constant 50000 : i32
      %add3A_521 = arith.addi %add3A_520, %mul3A_2 : i32
      "tpu.region"() ({
        %run_scoped3A = tpu.sem_alloc : memref<!tpu.dma_semaphore, #tpu.memory_space<semaphore_mem>>
        %dma_start3A = tpu.memref_slice %arg2[%add3A_521] : memref<100000xi32, #tpu.memory_space<hbm>> -> memref<1568xi32, #tpu.memory_space<hbm>>
        %dma_start3A_522 = tpu.memref_slice %arg2[%add3A_521] : memref<100000xi32, #tpu.memory_space<hbm>> -> memref<1568xi32, #tpu.memory_space<hbm>>
        tpu.enqueue_dma source(%dma_start3A_522 : memref<1568xi32, #tpu.memory_space<hbm>>) target(%arg15 : memref<1568xi32, #tpu.memory_space<vmem>>) target_semaphore(%run_scoped3A : memref<!tpu.dma_semaphore, #tpu.memory_space<semaphore_mem>>)
        %dma_wait3A = tpu.memref_slice %arg2[%add3A_521] : memref<100000xi32, #tpu.memory_space<hbm>> -> memref<1568xi32, #tpu.memory_space<hbm>>
        %dma_wait3A_523 = tpu.memref_slice %arg2[%add3A_521] : memref<100000xi32, #tpu.memory_space<hbm>> -> memref<1568xi32, #tpu.memory_space<hbm>>
        tpu.wait_dma2 semaphore(%run_scoped3A : memref<!tpu.dma_semaphore, #tpu.memory_space<semaphore_mem>>) src(%dma_wait3A_523 : memref<1568xi32, #tpu.memory_space<hbm>>) dst(%arg15 : memref<1568xi32, #tpu.memory_space<vmem>>)
        tpu.yield
      }) : () -> ()
      "tpu.region"() ({
        %run_scoped3A = tpu.sem_alloc : memref<!tpu.dma_semaphore, #tpu.memory_space<semaphore_mem>>
        %dma_start3A = tpu.memref_slice %arg3[%mul3A_2] : memref<50000xi32, #tpu.memory_space<hbm>> -> memref<1568xi32, #tpu.memory_space<hbm>>
        %dma_start3A_522 = tpu.memref_slice %arg3[%mul3A_2] : memref<50000xi32, #tpu.memory_space<hbm>> -> memref<1568xi32, #tpu.memory_space<hbm>>
        tpu.enqueue_dma source(%dma_start3A_522 : memref<1568xi32, #tpu.memory_space<hbm>>) target(%arg16 : memref<1568xi32, #tpu.memory_space<vmem>>) target_semaphore(%run_scoped3A : memref<!tpu.dma_semaphore, #tpu.memory_space<semaphore_mem>>)
        %dma_wait3A = tpu.memref_slice %arg3[%mul3A_2] : memref<50000xi32, #tpu.memory_space<hbm>> -> memref<1568xi32, #tpu.memory_space<hbm>>
        %dma_wait3A_523 = tpu.memref_slice %arg3[%mul3A_2] : memref<50000xi32, #tpu.memory_space<hbm>> -> memref<1568xi32, #tpu.memory_space<hbm>>
        tpu.wait_dma2 semaphore(%run_scoped3A : memref<!tpu.dma_semaphore, #tpu.memory_space<semaphore_mem>>) src(%dma_wait3A_523 : memref<1568xi32, #tpu.memory_space<hbm>>) dst(%arg16 : memref<1568xi32, #tpu.memory_space<vmem>>)
        tpu.yield
      }) : () -> ()
    } else {
    }
    %eq3A = arith.constant 31 : i32
    %eq3A_9 = arith.cmpi eq, %add3A, %eq3A : i32
    %convert_element_type3A_10 = arith.extui %eq3A_9 : i1 to i32
    %cond3A_11 = arith.constant 0 : i32
    %cond3A_12 = arith.cmpi ne, %convert_element_type3A_10, %cond3A_11 : i32
    scf.if %cond3A_12 {
      "tpu.region"() ({
        %run_scoped3A = tpu.sem_alloc : memref<!tpu.dma_semaphore, #tpu.memory_space<semaphore_mem>>
        %dma_start3A = arith.constant 0 : i32
        %dma_start3A_522 = tpu.memref_slice %arg14[%dma_start3A] : memref<1568xi32, #tpu.memory_space<vmem>> -> memref<1392xi32, #tpu.memory_space<vmem>>
        %dma_start3A_523 = tpu.memref_slice %arg2[%mul3A_2] : memref<100000xi32, #tpu.memory_space<hbm>> -> memref<1392xi32, #tpu.memory_space<hbm>>
        %dma_start3A_524 = arith.constant 0 : i32
        %dma_start3A_525 = tpu.memref_slice %arg14[%dma_start3A_524] : memref<1568xi32, #tpu.memory_space<vmem>> -> memref<1392xi32, #tpu.memory_space<vmem>>
        %dma_start3A_526 = tpu.memref_slice %arg2[%mul3A_2] : memref<100000xi32, #tpu.memory_space<hbm>> -> memref<1392xi32, #tpu.memory_space<hbm>>
        tpu.enqueue_dma source(%dma_start3A_526 : memref<1392xi32, #tpu.memory_space<hbm>>) target(%dma_start3A_525 : memref<1392xi32, #tpu.memory_space<vmem>>) target_semaphore(%run_scoped3A : memref<!tpu.dma_semaphore, #tpu.memory_space<semaphore_mem>>)
        %dma_wait3A = arith.constant 0 : i32
        %dma_wait3A_527 = tpu.memref_slice %arg14[%dma_wait3A] : memref<1568xi32, #tpu.memory_space<vmem>> -> memref<1392xi32, #tpu.memory_space<vmem>>
        %dma_wait3A_528 = tpu.memref_slice %arg2[%mul3A_2] : memref<100000xi32, #tpu.memory_space<hbm>> -> memref<1392xi32, #tpu.memory_space<hbm>>
        %dma_wait3A_529 = arith.constant 0 : i32
        %dma_wait3A_530 = tpu.memref_slice %arg14[%dma_wait3A_529] : memref<1568xi32, #tpu.memory_space<vmem>> -> memref<1392xi32, #tpu.memory_space<vmem>>
        %dma_wait3A_531 = tpu.memref_slice %arg2[%mul3A_2] : memref<100000xi32, #tpu.memory_space<hbm>> -> memref<1392xi32, #tpu.memory_space<hbm>>
        tpu.wait_dma2 semaphore(%run_scoped3A : memref<!tpu.dma_semaphore, #tpu.memory_space<semaphore_mem>>) src(%dma_wait3A_531 : memref<1392xi32, #tpu.memory_space<hbm>>) dst(%dma_wait3A_530 : memref<1392xi32, #tpu.memory_space<vmem>>)
        tpu.yield
      }) : () -> ()
      %add3A_520 = arith.constant 50000 : i32
      %add3A_521 = arith.addi %add3A_520, %mul3A_2 : i32
      "tpu.region"() ({
        %run_scoped3A = tpu.sem_alloc : memref<!tpu.dma_semaphore, #tpu.memory_space<semaphore_mem>>
        %dma_start3A = arith.constant 0 : i32
        %dma_start3A_522 = tpu.memref_slice %arg15[%dma_start3A] : memref<1568xi32, #tpu.memory_space<vmem>> -> memref<1392xi32, #tpu.memory_space<vmem>>
        %dma_start3A_523 = tpu.memref_slice %arg2[%add3A_521] : memref<100000xi32, #tpu.memory_space<hbm>> -> memref<1392xi32, #tpu.memory_space<hbm>>
        %dma_start3A_524 = arith.constant 0 : i32
        %dma_start3A_525 = tpu.memref_slice %arg15[%dma_start3A_524] : memref<1568xi32, #tpu.memory_space<vmem>> -> memref<1392xi32, #tpu.memory_space<vmem>>
        %dma_start3A_526 = tpu.memref_slice %arg2[%add3A_521] : memref<100000xi32, #tpu.memory_space<hbm>> -> memref<1392xi32, #tpu.memory_space<hbm>>
        tpu.enqueue_dma source(%dma_start3A_526 : memref<1392xi32, #tpu.memory_space<hbm>>) target(%dma_start3A_525 : memref<1392xi32, #tpu.memory_space<vmem>>) target_semaphore(%run_scoped3A : memref<!tpu.dma_semaphore, #tpu.memory_space<semaphore_mem>>)
        %dma_wait3A = arith.constant 0 : i32
        %dma_wait3A_527 = tpu.memref_slice %arg15[%dma_wait3A] : memref<1568xi32, #tpu.memory_space<vmem>> -> memref<1392xi32, #tpu.memory_space<vmem>>
        %dma_wait3A_528 = tpu.memref_slice %arg2[%add3A_521] : memref<100000xi32, #tpu.memory_space<hbm>> -> memref<1392xi32, #tpu.memory_space<hbm>>
        %dma_wait3A_529 = arith.constant 0 : i32
        %dma_wait3A_530 = tpu.memref_slice %arg15[%dma_wait3A_529] : memref<1568xi32, #tpu.memory_space<vmem>> -> memref<1392xi32, #tpu.memory_space<vmem>>
        %dma_wait3A_531 = tpu.memref_slice %arg2[%add3A_521] : memref<100000xi32, #tpu.memory_space<hbm>> -> memref<1392xi32, #tpu.memory_space<hbm>>
        tpu.wait_dma2 semaphore(%run_scoped3A : memref<!tpu.dma_semaphore, #tpu.memory_space<semaphore_mem>>) src(%dma_wait3A_531 : memref<1392xi32, #tpu.memory_space<hbm>>) dst(%dma_wait3A_530 : memref<1392xi32, #tpu.memory_space<vmem>>)
        tpu.yield
      }) : () -> ()
      "tpu.region"() ({
        %run_scoped3A = tpu.sem_alloc : memref<!tpu.dma_semaphore, #tpu.memory_space<semaphore_mem>>
        %dma_start3A = arith.constant 0 : i32
        %dma_start3A_522 = tpu.memref_slice %arg16[%dma_start3A] : memref<1568xi32, #tpu.memory_space<vmem>> -> memref<1392xi32, #tpu.memory_space<vmem>>
        %dma_start3A_523 = tpu.memref_slice %arg3[%mul3A_2] : memref<50000xi32, #tpu.memory_space<hbm>> -> memref<1392xi32, #tpu.memory_space<hbm>>
        %dma_start3A_524 = arith.constant 0 : i32
        %dma_start3A_525 = tpu.memref_slice %arg16[%dma_start3A_524] : memref<1568xi32, #tpu.memory_space<vmem>> -> memref<1392xi32, #tpu.memory_space<vmem>>
        %dma_start3A_526 = tpu.memref_slice %arg3[%mul3A_2] : memref<50000xi32, #tpu.memory_space<hbm>> -> memref<1392xi32, #tpu.memory_space<hbm>>
        tpu.enqueue_dma source(%dma_start3A_526 : memref<1392xi32, #tpu.memory_space<hbm>>) target(%dma_start3A_525 : memref<1392xi32, #tpu.memory_space<vmem>>) target_semaphore(%run_scoped3A : memref<!tpu.dma_semaphore, #tpu.memory_space<semaphore_mem>>)
        %dma_wait3A = arith.constant 0 : i32
        %dma_wait3A_527 = tpu.memref_slice %arg16[%dma_wait3A] : memref<1568xi32, #tpu.memory_space<vmem>> -> memref<1392xi32, #tpu.memory_space<vmem>>
        %dma_wait3A_528 = tpu.memref_slice %arg3[%mul3A_2] : memref<50000xi32, #tpu.memory_space<hbm>> -> memref<1392xi32, #tpu.memory_space<hbm>>
        %dma_wait3A_529 = arith.constant 0 : i32
        %dma_wait3A_530 = tpu.memref_slice %arg16[%dma_wait3A_529] : memref<1568xi32, #tpu.memory_space<vmem>> -> memref<1392xi32, #tpu.memory_space<vmem>>
        %dma_wait3A_531 = tpu.memref_slice %arg3[%mul3A_2] : memref<50000xi32, #tpu.memory_space<hbm>> -> memref<1392xi32, #tpu.memory_space<hbm>>
        tpu.wait_dma2 semaphore(%run_scoped3A : memref<!tpu.dma_semaphore, #tpu.memory_space<semaphore_mem>>) src(%dma_wait3A_531 : memref<1392xi32, #tpu.memory_space<hbm>>) dst(%dma_wait3A_530 : memref<1392xi32, #tpu.memory_space<vmem>>)
        tpu.yield
      }) : () -> ()
    } else {
    }
    tpu.wait_dma2 semaphore(%arg25 : memref<!tpu.dma_semaphore, #tpu.memory_space<semaphore_mem>>) src(%arg8 : memref<10016xi32, #tpu.memory_space<hbm>>) dst(%arg11 : memref<10016xi32, #tpu.memory_space<vmem>>)
    tpu.wait_dma2 semaphore(%arg25 : memref<!tpu.dma_semaphore, #tpu.memory_space<semaphore_mem>>) src(%arg8 : memref<10016xi32, #tpu.memory_space<hbm>>) dst(%arg12 : memref<10016xi32, #tpu.memory_space<vmem>>)
    tpu.wait_dma2 semaphore(%arg25 : memref<!tpu.dma_semaphore, #tpu.memory_space<semaphore_mem>>) src(%arg4 : memref<128xi32, #tpu.memory_space<hbm>>) dst(%arg17 : memref<128xi32, #tpu.memory_space<vmem>>)
    tpu.wait_dma2 semaphore(%arg25 : memref<!tpu.dma_semaphore, #tpu.memory_space<semaphore_mem>>) src(%arg5 : memref<128xi32, #tpu.memory_space<hbm>>) dst(%arg18 : memref<128xi32, #tpu.memory_space<vmem>>)
    tpu.wait_dma2 semaphore(%arg25 : memref<!tpu.dma_semaphore, #tpu.memory_space<semaphore_mem>>) src(%arg6 : memref<128xi32, #tpu.memory_space<hbm>>) dst(%arg19 : memref<128xi32, #tpu.memory_space<vmem>>)
    tpu.wait_dma2 semaphore(%arg25 : memref<!tpu.dma_semaphore, #tpu.memory_space<semaphore_mem>>) src(%arg7 : memref<1664xf32, #tpu.memory_space<hbm>>) dst(%arg13 : memref<1664xf32, #tpu.memory_space<vmem>>)
    tpu.wait_dma2 semaphore(%arg25 : memref<!tpu.dma_semaphore, #tpu.memory_space<semaphore_mem>>) src(%arg9 : memref<1xf32, #tpu.memory_space<hbm>>) dst(%arg20 : memref<1xf32, #tpu.memory_space<vmem>>)
    %broadcast_in_dim3A = arith.constant 0.000000e+00 : f32
    %broadcast_in_dim3A_13 = vector.broadcast %broadcast_in_dim3A : f32 to vector<16xf32>
    %iota3A = tpu.iota {dimensions = array<i32: 0>} : vector<16xi32>
    %swap3A = arith.constant 0 : index
    %swap3A_14 = tpu.vector_load %arg21[%swap3A] {strides = array<i32>} : memref<144xf32, #tpu.memory_space<vmem>>, vector<16xf32>,
    tpu.vector_store %arg21[%swap3A], %broadcast_in_dim3A_13 {strides = array<i32>} : memref<144xf32, #tpu.memory_space<vmem>>, vector<16xf32>,
    %swap3A_15 = arith.constant 0 : index
    %swap3A_16 = tpu.vector_load %arg22[%swap3A_15] {strides = array<i32>} : memref<144xf32, #tpu.memory_space<vmem>>, vector<16xf32>,
    tpu.vector_store %arg22[%swap3A_15], %broadcast_in_dim3A_13 {strides = array<i32>} : memref<144xf32, #tpu.memory_space<vmem>>, vector<16xf32>,
    %swap3A_17 = arith.constant 16 : index
    %swap3A_18 = tpu.vector_load %arg21[%swap3A_17] {strides = array<i32>} : memref<144xf32, #tpu.memory_space<vmem>>, vector<16xf32>,
    tpu.vector_store %arg21[%swap3A_17], %broadcast_in_dim3A_13 {strides = array<i32>} : memref<144xf32, #tpu.memory_space<vmem>>, vector<16xf32>,
    %swap3A_19 = arith.constant 16 : index
    %swap3A_20 = tpu.vector_load %arg22[%swap3A_19] {strides = array<i32>} : memref<144xf32, #tpu.memory_space<vmem>>, vector<16xf32>,
    tpu.vector_store %arg22[%swap3A_19], %broadcast_in_dim3A_13 {strides = array<i32>} : memref<144xf32, #tpu.memory_space<vmem>>, vector<16xf32>,
    %swap3A_21 = arith.constant 32 : index
    %swap3A_22 = tpu.vector_load %arg21[%swap3A_21] {strides = array<i32>} : memref<144xf32, #tpu.memory_space<vmem>>, vector<16xf32>,
    tpu.vector_store %arg21[%swap3A_21], %broadcast_in_dim3A_13 {strides = array<i32>} : memref<144xf32, #tpu.memory_space<vmem>>, vector<16xf32>,
    %swap3A_23 = arith.constant 32 : index
    %swap3A_24 = tpu.vector_load %arg22[%swap3A_23] {strides = array<i32>} : memref<144xf32, #tpu.memory_space<vmem>>, vector<16xf32>,
    tpu.vector_store %arg22[%swap3A_23], %broadcast_in_dim3A_13 {strides = array<i32>} : memref<144xf32, #tpu.memory_space<vmem>>, vector<16xf32>,
    %swap3A_25 = arith.constant 48 : index
    %swap3A_26 = tpu.vector_load %arg21[%swap3A_25] {strides = array<i32>} : memref<144xf32, #tpu.memory_space<vmem>>, vector<16xf32>,
    tpu.vector_store %arg21[%swap3A_25], %broadcast_in_dim3A_13 {strides = array<i32>} : memref<144xf32, #tpu.memory_space<vmem>>, vector<16xf32>,
    %swap3A_27 = arith.constant 48 : index
    %swap3A_28 = tpu.vector_load %arg22[%swap3A_27] {strides = array<i32>} : memref<144xf32, #tpu.memory_space<vmem>>, vector<16xf32>,
    tpu.vector_store %arg22[%swap3A_27], %broadcast_in_dim3A_13 {strides = array<i32>} : memref<144xf32, #tpu.memory_space<vmem>>, vector<16xf32>,
    %swap3A_29 = arith.constant 64 : index
    %swap3A_30 = tpu.vector_load %arg21[%swap3A_29] {strides = array<i32>} : memref<144xf32, #tpu.memory_space<vmem>>, vector<16xf32>,
    tpu.vector_store %arg21[%swap3A_29], %broadcast_in_dim3A_13 {strides = array<i32>} : memref<144xf32, #tpu.memory_space<vmem>>, vector<16xf32>,
    %swap3A_31 = arith.constant 64 : index
    %swap3A_32 = tpu.vector_load %arg22[%swap3A_31] {strides = array<i32>} : memref<144xf32, #tpu.memory_space<vmem>>, vector<16xf32>,
    tpu.vector_store %arg22[%swap3A_31], %broadcast_in_dim3A_13 {strides = array<i32>} : memref<144xf32, #tpu.memory_space<vmem>>, vector<16xf32>,
    %swap3A_33 = arith.constant 80 : index
    %swap3A_34 = tpu.vector_load %arg21[%swap3A_33] {strides = array<i32>} : memref<144xf32, #tpu.memory_space<vmem>>, vector<16xf32>,
    tpu.vector_store %arg21[%swap3A_33], %broadcast_in_dim3A_13 {strides = array<i32>} : memref<144xf32, #tpu.memory_space<vmem>>, vector<16xf32>,
    %swap3A_35 = arith.constant 80 : index
    %swap3A_36 = tpu.vector_load %arg22[%swap3A_35] {strides = array<i32>} : memref<144xf32, #tpu.memory_space<vmem>>, vector<16xf32>,
    tpu.vector_store %arg22[%swap3A_35], %broadcast_in_dim3A_13 {strides = array<i32>} : memref<144xf32, #tpu.memory_space<vmem>>, vector<16xf32>,
    %swap3A_37 = arith.constant 96 : index
    %swap3A_38 = tpu.vector_load %arg21[%swap3A_37] {strides = array<i32>} : memref<144xf32, #tpu.memory_space<vmem>>, vector<16xf32>,
    tpu.vector_store %arg21[%swap3A_37], %broadcast_in_dim3A_13 {strides = array<i32>} : memref<144xf32, #tpu.memory_space<vmem>>, vector<16xf32>,
    %swap3A_39 = arith.constant 96 : index
    %swap3A_40 = tpu.vector_load %arg22[%swap3A_39] {strides = array<i32>} : memref<144xf32, #tpu.memory_space<vmem>>, vector<16xf32>,
    tpu.vector_store %arg22[%swap3A_39], %broadcast_in_dim3A_13 {strides = array<i32>} : memref<144xf32, #tpu.memory_space<vmem>>, vector<16xf32>,
    %swap3A_41 = arith.constant 112 : index
    %swap3A_42 = tpu.vector_load %arg21[%swap3A_41] {strides = array<i32>} : memref<144xf32, #tpu.memory_space<vmem>>, vector<16xf32>,
    tpu.vector_store %arg21[%swap3A_41], %broadcast_in_dim3A_13 {strides = array<i32>} : memref<144xf32, #tpu.memory_space<vmem>>, vector<16xf32>,
    %swap3A_43 = arith.constant 112 : index
    %swap3A_44 = tpu.vector_load %arg22[%swap3A_43] {strides = array<i32>} : memref<144xf32, #tpu.memory_space<vmem>>, vector<16xf32>,
    tpu.vector_store %arg22[%swap3A_43], %broadcast_in_dim3A_13 {strides = array<i32>} : memref<144xf32, #tpu.memory_space<vmem>>, vector<16xf32>,
    %swap3A_45 = arith.constant 128 : index
    %swap3A_46 = tpu.vector_load %arg21[%swap3A_45] {strides = array<i32>} : memref<144xf32, #tpu.memory_space<vmem>>, vector<16xf32>,
    tpu.vector_store %arg21[%swap3A_45], %broadcast_in_dim3A_13 {strides = array<i32>} : memref<144xf32, #tpu.memory_space<vmem>>, vector<16xf32>,
    %swap3A_47 = arith.constant 128 : index
    %swap3A_48 = tpu.vector_load %arg22[%swap3A_47] {strides = array<i32>} : memref<144xf32, #tpu.memory_space<vmem>>, vector<16xf32>,
    tpu.vector_store %arg22[%swap3A_47], %broadcast_in_dim3A_13 {strides = array<i32>} : memref<144xf32, #tpu.memory_space<vmem>>, vector<16xf32>,
    %get3A = arith.constant 0 : index
    %get3A_49 = tpu.vector_load %arg17[%get3A] {strides = array<i32>} : memref<128xi32, #tpu.memory_space<vmem>>, vector<16xi32>,
    %get3A_50 = arith.constant 0 : index
    %get3A_51 = tpu.vector_load %arg18[%get3A_50] {strides = array<i32>} : memref<128xi32, #tpu.memory_space<vmem>>, vector<16xi32>,
    %add3A_52 = arith.constant 0 : i32
    %add3A_53 = vector.broadcast %add3A_52 : i32 to vector<16xi32>
    %add3A_54 = arith.addi %iota3A, %add3A_53 : vector<16xi32>
    tpu.vector_store_idx %arg11[%get3A_49], %add3A_54 : memref<10016xi32, #tpu.memory_space<vmem>>[vector<16xi32>], vector<16xi32>,
    %add3A_55 = arith.constant 0 : i32
    %add3A_56 = vector.broadcast %add3A_55 : i32 to vector<16xi32>
    %add3A_57 = arith.addi %iota3A, %add3A_56 : vector<16xi32>
    tpu.vector_store_idx %arg12[%get3A_51], %add3A_57 : memref<10016xi32, #tpu.memory_space<vmem>>[vector<16xi32>], vector<16xi32>,
    %get3A_58 = arith.constant 16 : index
    %get3A_59 = tpu.vector_load %arg17[%get3A_58] {strides = array<i32>} : memref<128xi32, #tpu.memory_space<vmem>>, vector<16xi32>,
    %get3A_60 = arith.constant 16 : index
    %get3A_61 = tpu.vector_load %arg18[%get3A_60] {strides = array<i32>} : memref<128xi32, #tpu.memory_space<vmem>>, vector<16xi32>,
    %add3A_62 = arith.constant 16 : i32
    %add3A_63 = vector.broadcast %add3A_62 : i32 to vector<16xi32>
    %add3A_64 = arith.addi %iota3A, %add3A_63 : vector<16xi32>
    tpu.vector_store_idx %arg11[%get3A_59], %add3A_64 : memref<10016xi32, #tpu.memory_space<vmem>>[vector<16xi32>], vector<16xi32>,
    %add3A_65 = arith.constant 16 : i32
    %add3A_66 = vector.broadcast %add3A_65 : i32 to vector<16xi32>
    %add3A_67 = arith.addi %iota3A, %add3A_66 : vector<16xi32>
    tpu.vector_store_idx %arg12[%get3A_61], %add3A_67 : memref<10016xi32, #tpu.memory_space<vmem>>[vector<16xi32>], vector<16xi32>,
    %get3A_68 = arith.constant 32 : index
    %get3A_69 = tpu.vector_load %arg17[%get3A_68] {strides = array<i32>} : memref<128xi32, #tpu.memory_space<vmem>>, vector<16xi32>,
    %get3A_70 = arith.constant 32 : index
    %get3A_71 = tpu.vector_load %arg18[%get3A_70] {strides = array<i32>} : memref<128xi32, #tpu.memory_space<vmem>>, vector<16xi32>,
    %add3A_72 = arith.constant 32 : i32
    %add3A_73 = vector.broadcast %add3A_72 : i32 to vector<16xi32>
    %add3A_74 = arith.addi %iota3A, %add3A_73 : vector<16xi32>
    tpu.vector_store_idx %arg11[%get3A_69], %add3A_74 : memref<10016xi32, #tpu.memory_space<vmem>>[vector<16xi32>], vector<16xi32>,
    %add3A_75 = arith.constant 32 : i32
    %add3A_76 = vector.broadcast %add3A_75 : i32 to vector<16xi32>
    %add3A_77 = arith.addi %iota3A, %add3A_76 : vector<16xi32>
    tpu.vector_store_idx %arg12[%get3A_71], %add3A_77 : memref<10016xi32, #tpu.memory_space<vmem>>[vector<16xi32>], vector<16xi32>,
    %get3A_78 = arith.constant 48 : index
    %get3A_79 = tpu.vector_load %arg17[%get3A_78] {strides = array<i32>} : memref<128xi32, #tpu.memory_space<vmem>>, vector<16xi32>,
    %get3A_80 = arith.constant 48 : index
    %get3A_81 = tpu.vector_load %arg18[%get3A_80] {strides = array<i32>} : memref<128xi32, #tpu.memory_space<vmem>>, vector<16xi32>,
    %add3A_82 = arith.constant 48 : i32
    %add3A_83 = vector.broadcast %add3A_82 : i32 to vector<16xi32>
    %add3A_84 = arith.addi %iota3A, %add3A_83 : vector<16xi32>
    tpu.vector_store_idx %arg11[%get3A_79], %add3A_84 : memref<10016xi32, #tpu.memory_space<vmem>>[vector<16xi32>], vector<16xi32>,
    %add3A_85 = arith.constant 48 : i32
    %add3A_86 = vector.broadcast %add3A_85 : i32 to vector<16xi32>
    %add3A_87 = arith.addi %iota3A, %add3A_86 : vector<16xi32>
    tpu.vector_store_idx %arg12[%get3A_81], %add3A_87 : memref<10016xi32, #tpu.memory_space<vmem>>[vector<16xi32>], vector<16xi32>,
    %get3A_88 = arith.constant 64 : index
    %get3A_89 = tpu.vector_load %arg17[%get3A_88] {strides = array<i32>} : memref<128xi32, #tpu.memory_space<vmem>>, vector<16xi32>,
    %get3A_90 = arith.constant 64 : index
    %get3A_91 = tpu.vector_load %arg18[%get3A_90] {strides = array<i32>} : memref<128xi32, #tpu.memory_space<vmem>>, vector<16xi32>,
    %add3A_92 = arith.constant 64 : i32
    %add3A_93 = vector.broadcast %add3A_92 : i32 to vector<16xi32>
    %add3A_94 = arith.addi %iota3A, %add3A_93 : vector<16xi32>
    tpu.vector_store_idx %arg11[%get3A_89], %add3A_94 : memref<10016xi32, #tpu.memory_space<vmem>>[vector<16xi32>], vector<16xi32>,
    %add3A_95 = arith.constant 64 : i32
    %add3A_96 = vector.broadcast %add3A_95 : i32 to vector<16xi32>
    %add3A_97 = arith.addi %iota3A, %add3A_96 : vector<16xi32>
    tpu.vector_store_idx %arg12[%get3A_91], %add3A_97 : memref<10016xi32, #tpu.memory_space<vmem>>[vector<16xi32>], vector<16xi32>,
    %get3A_98 = arith.constant 80 : index
    %get3A_99 = tpu.vector_load %arg17[%get3A_98] {strides = array<i32>} : memref<128xi32, #tpu.memory_space<vmem>>, vector<16xi32>,
    %get3A_100 = arith.constant 80 : index
    %get3A_101 = tpu.vector_load %arg18[%get3A_100] {strides = array<i32>} : memref<128xi32, #tpu.memory_space<vmem>>, vector<16xi32>,
    %add3A_102 = arith.constant 80 : i32
    %add3A_103 = vector.broadcast %add3A_102 : i32 to vector<16xi32>
    %add3A_104 = arith.addi %iota3A, %add3A_103 : vector<16xi32>
    tpu.vector_store_idx %arg11[%get3A_99], %add3A_104 : memref<10016xi32, #tpu.memory_space<vmem>>[vector<16xi32>], vector<16xi32>,
    %add3A_105 = arith.constant 80 : i32
    %add3A_106 = vector.broadcast %add3A_105 : i32 to vector<16xi32>
    %add3A_107 = arith.addi %iota3A, %add3A_106 : vector<16xi32>
    tpu.vector_store_idx %arg12[%get3A_101], %add3A_107 : memref<10016xi32, #tpu.memory_space<vmem>>[vector<16xi32>], vector<16xi32>,
    %get3A_108 = arith.constant 96 : index
    %get3A_109 = tpu.vector_load %arg17[%get3A_108] {strides = array<i32>} : memref<128xi32, #tpu.memory_space<vmem>>, vector<16xi32>,
    %get3A_110 = arith.constant 96 : index
    %get3A_111 = tpu.vector_load %arg18[%get3A_110] {strides = array<i32>} : memref<128xi32, #tpu.memory_space<vmem>>, vector<16xi32>,
    %add3A_112 = arith.constant 96 : i32
    %add3A_113 = vector.broadcast %add3A_112 : i32 to vector<16xi32>
    %add3A_114 = arith.addi %iota3A, %add3A_113 : vector<16xi32>
    tpu.vector_store_idx %arg11[%get3A_109], %add3A_114 : memref<10016xi32, #tpu.memory_space<vmem>>[vector<16xi32>], vector<16xi32>,
    %add3A_115 = arith.constant 96 : i32
    %add3A_116 = vector.broadcast %add3A_115 : i32 to vector<16xi32>
    %add3A_117 = arith.addi %iota3A, %add3A_116 : vector<16xi32>
    tpu.vector_store_idx %arg12[%get3A_111], %add3A_117 : memref<10016xi32, #tpu.memory_space<vmem>>[vector<16xi32>], vector<16xi32>,
    %get3A_118 = arith.constant 112 : index
    %get3A_119 = tpu.vector_load %arg17[%get3A_118] {strides = array<i32>} : memref<128xi32, #tpu.memory_space<vmem>>, vector<16xi32>,
    %get3A_120 = arith.constant 112 : index
    %get3A_121 = tpu.vector_load %arg18[%get3A_120] {strides = array<i32>} : memref<128xi32, #tpu.memory_space<vmem>>, vector<16xi32>,
    %add3A_122 = arith.constant 112 : i32
    %add3A_123 = vector.broadcast %add3A_122 : i32 to vector<16xi32>
    %add3A_124 = arith.addi %iota3A, %add3A_123 : vector<16xi32>
    tpu.vector_store_idx %arg11[%get3A_119], %add3A_124 : memref<10016xi32, #tpu.memory_space<vmem>>[vector<16xi32>], vector<16xi32>,
    %add3A_125 = arith.constant 112 : i32
    %add3A_126 = vector.broadcast %add3A_125 : i32 to vector<16xi32>
    %add3A_127 = arith.addi %iota3A, %add3A_126 : vector<16xi32>
    tpu.vector_store_idx %arg12[%get3A_121], %add3A_127 : memref<10016xi32, #tpu.memory_space<vmem>>[vector<16xi32>], vector<16xi32>,
    %get3A_128 = arith.constant 0 : index
    %get3A_129 = tpu.vector_load %arg17[%get3A_128] {strides = array<i32>} : memref<128xi32, #tpu.memory_space<vmem>>, vector<16xi32>,
    %get3A_130 = arith.constant 0 : index
    %get3A_131 = tpu.vector_load %arg18[%get3A_130] {strides = array<i32>} : memref<128xi32, #tpu.memory_space<vmem>>, vector<16xi32>,
    %gather3A = tpu.vector_load_idx %arg11[%get3A_129] : memref<10016xi32, #tpu.memory_space<vmem>>[vector<16xi32>], vector<16xi32>,
    %gather3A_132 = tpu.vector_load_idx %arg12[%get3A_131] : memref<10016xi32, #tpu.memory_space<vmem>>[vector<16xi32>], vector<16xi32>,
    %mul3A_133 = arith.constant 129 : i32
    %mul3A_134 = vector.broadcast %mul3A_133 : i32 to vector<16xi32>
    %mul3A_135 = arith.muli %gather3A, %mul3A_134 : vector<16xi32>
    %add3A_136 = arith.addi %mul3A_135, %gather3A_132 : vector<16xi32>
    tpu.vector_store_idx %arg23[%add3A_136], %broadcast_in_dim3A_13 : memref<16704xf32, #tpu.memory_space<vmem>>[vector<16xi32>], vector<16xf32>,
    %get3A_137 = arith.constant 16 : index
    %get3A_138 = tpu.vector_load %arg17[%get3A_137] {strides = array<i32>} : memref<128xi32, #tpu.memory_space<vmem>>, vector<16xi32>,
    %get3A_139 = arith.constant 16 : index
    %get3A_140 = tpu.vector_load %arg18[%get3A_139] {strides = array<i32>} : memref<128xi32, #tpu.memory_space<vmem>>, vector<16xi32>,
    %gather3A_141 = tpu.vector_load_idx %arg11[%get3A_138] : memref<10016xi32, #tpu.memory_space<vmem>>[vector<16xi32>], vector<16xi32>,
    %gather3A_142 = tpu.vector_load_idx %arg12[%get3A_140] : memref<10016xi32, #tpu.memory_space<vmem>>[vector<16xi32>], vector<16xi32>,
    %mul3A_143 = arith.constant 129 : i32
    %mul3A_144 = vector.broadcast %mul3A_143 : i32 to vector<16xi32>
    %mul3A_145 = arith.muli %gather3A_141, %mul3A_144 : vector<16xi32>
    %add3A_146 = arith.addi %mul3A_145, %gather3A_142 : vector<16xi32>
    tpu.vector_store_idx %arg23[%add3A_146], %broadcast_in_dim3A_13 : memref<16704xf32, #tpu.memory_space<vmem>>[vector<16xi32>], vector<16xf32>,
    %get3A_147 = arith.constant 32 : index
    %get3A_148 = tpu.vector_load %arg17[%get3A_147] {strides = array<i32>} : memref<128xi32, #tpu.memory_space<vmem>>, vector<16xi32>,
    %get3A_149 = arith.constant 32 : index
    %get3A_150 = tpu.vector_load %arg18[%get3A_149] {strides = array<i32>} : memref<128xi32, #tpu.memory_space<vmem>>, vector<16xi32>,
    %gather3A_151 = tpu.vector_load_idx %arg11[%get3A_148] : memref<10016xi32, #tpu.memory_space<vmem>>[vector<16xi32>], vector<16xi32>,
    %gather3A_152 = tpu.vector_load_idx %arg12[%get3A_150] : memref<10016xi32, #tpu.memory_space<vmem>>[vector<16xi32>], vector<16xi32>,
    %mul3A_153 = arith.constant 129 : i32
    %mul3A_154 = vector.broadcast %mul3A_153 : i32 to vector<16xi32>
    %mul3A_155 = arith.muli %gather3A_151, %mul3A_154 : vector<16xi32>
    %add3A_156 = arith.addi %mul3A_155, %gather3A_152 : vector<16xi32>
    tpu.vector_store_idx %arg23[%add3A_156], %broadcast_in_dim3A_13 : memref<16704xf32, #tpu.memory_space<vmem>>[vector<16xi32>], vector<16xf32>,
    %get3A_157 = arith.constant 48 : index
    %get3A_158 = tpu.vector_load %arg17[%get3A_157] {strides = array<i32>} : memref<128xi32, #tpu.memory_space<vmem>>, vector<16xi32>,
    %get3A_159 = arith.constant 48 : index
    %get3A_160 = tpu.vector_load %arg18[%get3A_159] {strides = array<i32>} : memref<128xi32, #tpu.memory_space<vmem>>, vector<16xi32>,
    %gather3A_161 = tpu.vector_load_idx %arg11[%get3A_158] : memref<10016xi32, #tpu.memory_space<vmem>>[vector<16xi32>], vector<16xi32>,
    %gather3A_162 = tpu.vector_load_idx %arg12[%get3A_160] : memref<10016xi32, #tpu.memory_space<vmem>>[vector<16xi32>], vector<16xi32>,
    %mul3A_163 = arith.constant 129 : i32
    %mul3A_164 = vector.broadcast %mul3A_163 : i32 to vector<16xi32>
    %mul3A_165 = arith.muli %gather3A_161, %mul3A_164 : vector<16xi32>
    %add3A_166 = arith.addi %mul3A_165, %gather3A_162 : vector<16xi32>
    tpu.vector_store_idx %arg23[%add3A_166], %broadcast_in_dim3A_13 : memref<16704xf32, #tpu.memory_space<vmem>>[vector<16xi32>], vector<16xf32>,
    %get3A_167 = arith.constant 64 : index
    %get3A_168 = tpu.vector_load %arg17[%get3A_167] {strides = array<i32>} : memref<128xi32, #tpu.memory_space<vmem>>, vector<16xi32>,
    %get3A_169 = arith.constant 64 : index
    %get3A_170 = tpu.vector_load %arg18[%get3A_169] {strides = array<i32>} : memref<128xi32, #tpu.memory_space<vmem>>, vector<16xi32>,
    %gather3A_171 = tpu.vector_load_idx %arg11[%get3A_168] : memref<10016xi32, #tpu.memory_space<vmem>>[vector<16xi32>], vector<16xi32>,
    %gather3A_172 = tpu.vector_load_idx %arg12[%get3A_170] : memref<10016xi32, #tpu.memory_space<vmem>>[vector<16xi32>], vector<16xi32>,
    %mul3A_173 = arith.constant 129 : i32
    %mul3A_174 = vector.broadcast %mul3A_173 : i32 to vector<16xi32>
    %mul3A_175 = arith.muli %gather3A_171, %mul3A_174 : vector<16xi32>
    %add3A_176 = arith.addi %mul3A_175, %gather3A_172 : vector<16xi32>
    tpu.vector_store_idx %arg23[%add3A_176], %broadcast_in_dim3A_13 : memref<16704xf32, #tpu.memory_space<vmem>>[vector<16xi32>], vector<16xf32>,
    %get3A_177 = arith.constant 80 : index
    %get3A_178 = tpu.vector_load %arg17[%get3A_177] {strides = array<i32>} : memref<128xi32, #tpu.memory_space<vmem>>, vector<16xi32>,
    %get3A_179 = arith.constant 80 : index
    %get3A_180 = tpu.vector_load %arg18[%get3A_179] {strides = array<i32>} : memref<128xi32, #tpu.memory_space<vmem>>, vector<16xi32>,
    %gather3A_181 = tpu.vector_load_idx %arg11[%get3A_178] : memref<10016xi32, #tpu.memory_space<vmem>>[vector<16xi32>], vector<16xi32>,
    %gather3A_182 = tpu.vector_load_idx %arg12[%get3A_180] : memref<10016xi32, #tpu.memory_space<vmem>>[vector<16xi32>], vector<16xi32>,
    %mul3A_183 = arith.constant 129 : i32
    %mul3A_184 = vector.broadcast %mul3A_183 : i32 to vector<16xi32>
    %mul3A_185 = arith.muli %gather3A_181, %mul3A_184 : vector<16xi32>
    %add3A_186 = arith.addi %mul3A_185, %gather3A_182 : vector<16xi32>
    tpu.vector_store_idx %arg23[%add3A_186], %broadcast_in_dim3A_13 : memref<16704xf32, #tpu.memory_space<vmem>>[vector<16xi32>], vector<16xf32>,
    %get3A_187 = arith.constant 96 : index
    %get3A_188 = tpu.vector_load %arg17[%get3A_187] {strides = array<i32>} : memref<128xi32, #tpu.memory_space<vmem>>, vector<16xi32>,
    %get3A_189 = arith.constant 96 : index
    %get3A_190 = tpu.vector_load %arg18[%get3A_189] {strides = array<i32>} : memref<128xi32, #tpu.memory_space<vmem>>, vector<16xi32>,
    %gather3A_191 = tpu.vector_load_idx %arg11[%get3A_188] : memref<10016xi32, #tpu.memory_space<vmem>>[vector<16xi32>], vector<16xi32>,
    %gather3A_192 = tpu.vector_load_idx %arg12[%get3A_190] : memref<10016xi32, #tpu.memory_space<vmem>>[vector<16xi32>], vector<16xi32>,
    %mul3A_193 = arith.constant 129 : i32
    %mul3A_194 = vector.broadcast %mul3A_193 : i32 to vector<16xi32>
    %mul3A_195 = arith.muli %gather3A_191, %mul3A_194 : vector<16xi32>
    %add3A_196 = arith.addi %mul3A_195, %gather3A_192 : vector<16xi32>
    tpu.vector_store_idx %arg23[%add3A_196], %broadcast_in_dim3A_13 : memref<16704xf32, #tpu.memory_space<vmem>>[vector<16xi32>], vector<16xf32>,
    %get3A_197 = arith.constant 112 : index
    %get3A_198 = tpu.vector_load %arg17[%get3A_197] {strides = array<i32>} : memref<128xi32, #tpu.memory_space<vmem>>, vector<16xi32>,
    %get3A_199 = arith.constant 112 : index
    %get3A_200 = tpu.vector_load %arg18[%get3A_199] {strides = array<i32>} : memref<128xi32, #tpu.memory_space<vmem>>, vector<16xi32>,
    %gather3A_201 = tpu.vector_load_idx %arg11[%get3A_198] : memref<10016xi32, #tpu.memory_space<vmem>>[vector<16xi32>], vector<16xi32>,
    %gather3A_202 = tpu.vector_load_idx %arg12[%get3A_200] : memref<10016xi32, #tpu.memory_space<vmem>>[vector<16xi32>], vector<16xi32>,
    %mul3A_203 = arith.constant 129 : i32
    %mul3A_204 = vector.broadcast %mul3A_203 : i32 to vector<16xi32>
    %mul3A_205 = arith.muli %gather3A_201, %mul3A_204 : vector<16xi32>
    %add3A_206 = arith.addi %mul3A_205, %gather3A_202 : vector<16xi32>
    tpu.vector_store_idx %arg23[%add3A_206], %broadcast_in_dim3A_13 : memref<16704xf32, #tpu.memory_space<vmem>>[vector<16xi32>], vector<16xf32>,
    %jit3A = arith.constant 4 : i32
    %div3A = arith.divsi %select_n3A_5, %jit3A : i32
    %sign3A = arith.constant 0 : i32
    %sign3A_207 = arith.cmpi sgt, %select_n3A_5, %sign3A : i32
    %sign3A_208 = arith.extui %sign3A_207 : i1 to i32
    %sign3A_209 = arith.constant 0 : i32
    %sign3A_210 = arith.cmpi slt, %select_n3A_5, %sign3A_209 : i32
    %sign3A_211 = arith.extui %sign3A_210 : i1 to i32
    %sign3A_212 = arith.subi %sign3A_208, %sign3A_211 : i32
    %sign3A_213 = arith.constant 0 : i32
    %sign3A_214 = arith.cmpi sgt, %jit3A, %sign3A_213 : i32
    %sign3A_215 = arith.extui %sign3A_214 : i1 to i32
    %sign3A_216 = arith.constant 0 : i32
    %sign3A_217 = arith.cmpi slt, %jit3A, %sign3A_216 : i32
    %sign3A_218 = arith.extui %sign3A_217 : i1 to i32
    %sign3A_219 = arith.subi %sign3A_215, %sign3A_218 : i32
    %ne3A = arith.cmpi ne, %sign3A_212, %sign3A_219 : i32
    %rem3A = arith.remsi %select_n3A_5, %jit3A : i32
    %ne3A_220 = arith.constant 0 : i32
    %ne3A_221 = arith.cmpi ne, %rem3A, %ne3A_220 : i32
    %and3A = arith.andi %ne3A, %ne3A_221 : i1
    %sub3A = arith.constant 1 : i32
    %sub3A_222 = arith.subi %div3A, %sub3A : i32
    %select_n3A_223 = arith.select %and3A, %sub3A_222, %div3A : i32
    %while3A = arith.constant 0 : i32
    %while3A_224 = arith.constant 0 : i32
    %while3A_225 = arith.subi %select_n3A_223, %while3A_224 : i32
    %while3A_226 = arith.addi %while3A_224, %while3A_225 : i32
    %while3A_227 = arith.constant 1 : i32
    %while3A_228 = arith.divsi %while3A_225, %while3A_227 : i32
    %while3A_229 = arith.muli %while3A_228, %while3A_227 : i32
    %while3A_230 = arith.addi %while3A_224, %while3A_229 : i32
    %while3A_231 = arith.constant 1 : i32
    scf.for %while3A_520 = %while3A_224 to %while3A_230 step %while3A_231  : i32 {
      %mul3A_521 = arith.constant 64 : i32
      %mul3A_522 = arith.muli %while3A_520, %mul3A_521 : i32
      %get3A_523 = arith.index_cast %mul3A_522 : i32 to index
      %get3A_524 = tpu.vector_load %arg14[%get3A_523] {strides = array<i32>} : memref<1568xi32, #tpu.memory_space<vmem>>, vector<16xi32>,
      %get3A_525 = arith.index_cast %mul3A_522 : i32 to index
      %get3A_526 = tpu.vector_load %arg15[%get3A_525] {strides = array<i32>} : memref<1568xi32, #tpu.memory_space<vmem>>, vector<16xi32>,
      %get3A_527 = arith.index_cast %mul3A_522 : i32 to index
      %get3A_528 = tpu.vector_load %arg16[%get3A_527] {strides = array<i32>} : memref<1568xi32, #tpu.memory_space<vmem>>, vector<16xi32>,
      %gather3A_529 = tpu.vector_load_idx %arg11[%get3A_524] : memref<10016xi32, #tpu.memory_space<vmem>>[vector<16xi32>], vector<16xi32>,
      %gather3A_530 = tpu.vector_load_idx %arg11[%get3A_526] : memref<10016xi32, #tpu.memory_space<vmem>>[vector<16xi32>], vector<16xi32>,
      %gather3A_531 = tpu.vector_load_idx %arg12[%get3A_524] : memref<10016xi32, #tpu.memory_space<vmem>>[vector<16xi32>], vector<16xi32>,
      %gather3A_532 = tpu.vector_load_idx %arg12[%get3A_526] : memref<10016xi32, #tpu.memory_space<vmem>>[vector<16xi32>], vector<16xi32>,
      %lt3A_533 = arith.constant 128 : i32
      %lt3A_534 = vector.broadcast %lt3A_533 : i32 to vector<16xi32>
      %lt3A_535 = arith.cmpi slt, %gather3A_529, %lt3A_534 : vector<16xi32>
      %lt3A_536 = arith.constant 128 : i32
      %lt3A_537 = vector.broadcast %lt3A_536 : i32 to vector<16xi32>
      %lt3A_538 = arith.cmpi slt, %gather3A_530, %lt3A_537 : vector<16xi32>
      %lt3A_539 = arith.constant 128 : i32
      %lt3A_540 = vector.broadcast %lt3A_539 : i32 to vector<16xi32>
      %lt3A_541 = arith.cmpi slt, %gather3A_531, %lt3A_540 : vector<16xi32>
      %lt3A_542 = arith.constant 128 : i32
      %lt3A_543 = vector.broadcast %lt3A_542 : i32 to vector<16xi32>
      %lt3A_544 = arith.cmpi slt, %gather3A_532, %lt3A_543 : vector<16xi32>
      %gather3A_545 = tpu.vector_load_idx %arg13[%get3A_528] : memref<1664xf32, #tpu.memory_space<vmem>>[vector<16xi32>], vector<16xf32>,
      %add3A_546 = arith.constant 208 : i32
      %add3A_547 = vector.broadcast %add3A_546 : i32 to vector<16xi32>
      %add3A_548 = arith.addi %get3A_528, %add3A_547 : vector<16xi32>
      %gather3A_549 = tpu.vector_load_idx %arg13[%add3A_548] : memref<1664xf32, #tpu.memory_space<vmem>>[vector<16xi32>], vector<16xf32>,
      %add3A_550 = arith.constant 416 : i32
      %add3A_551 = vector.broadcast %add3A_550 : i32 to vector<16xi32>
      %add3A_552 = arith.addi %get3A_528, %add3A_551 : vector<16xi32>
      %gather3A_553 = tpu.vector_load_idx %arg13[%add3A_552] : memref<1664xf32, #tpu.memory_space<vmem>>[vector<16xi32>], vector<16xf32>,
      %add3A_554 = arith.constant 624 : i32
      %add3A_555 = vector.broadcast %add3A_554 : i32 to vector<16xi32>
      %add3A_556 = arith.addi %get3A_528, %add3A_555 : vector<16xi32>
      %gather3A_557 = tpu.vector_load_idx %arg13[%add3A_556] : memref<1664xf32, #tpu.memory_space<vmem>>[vector<16xi32>], vector<16xf32>,
      %add3A_558 = arith.constant 832 : i32
      %add3A_559 = vector.broadcast %add3A_558 : i32 to vector<16xi32>
      %add3A_560 = arith.addi %get3A_528, %add3A_559 : vector<16xi32>
      %gather3A_561 = tpu.vector_load_idx %arg13[%add3A_560] : memref<1664xf32, #tpu.memory_space<vmem>>[vector<16xi32>], vector<16xf32>,
      %add3A_562 = arith.constant 1040 : i32
      %add3A_563 = vector.broadcast %add3A_562 : i32 to vector<16xi32>
      %add3A_564 = arith.addi %get3A_528, %add3A_563 : vector<16xi32>
      %gather3A_565 = tpu.vector_load_idx %arg13[%add3A_564] : memref<1664xf32, #tpu.memory_space<vmem>>[vector<16xi32>], vector<16xf32>,
      tpu.vector_store_idx %arg21[%gather3A_530], %gather3A_545 masked %lt3A_538 {add = true} : memref<144xf32, #tpu.memory_space<vmem>>[vector<16xi32>], vector<16xf32>, vector<16xi1>
      tpu.vector_store_idx %arg21[%gather3A_529], %gather3A_549 masked %lt3A_535 {add = true} : memref<144xf32, #tpu.memory_space<vmem>>[vector<16xi32>], vector<16xf32>, vector<16xi1>
      tpu.vector_store_idx %arg22[%gather3A_532], %gather3A_553 masked %lt3A_544 {add = true} : memref<144xf32, #tpu.memory_space<vmem>>[vector<16xi32>], vector<16xf32>, vector<16xi1>
      tpu.vector_store_idx %arg22[%gather3A_531], %gather3A_557 masked %lt3A_541 {add = true} : memref<144xf32, #tpu.memory_space<vmem>>[vector<16xi32>], vector<16xf32>, vector<16xi1>
      %mul3A_566 = arith.constant 129 : i32
      %mul3A_567 = vector.broadcast %mul3A_566 : i32 to vector<16xi32>
      %mul3A_568 = arith.muli %gather3A_529, %mul3A_567 : vector<16xi32>
      %add3A_569 = arith.addi %mul3A_568, %gather3A_532 : vector<16xi32>
      %and3A_570 = arith.andi %lt3A_535, %lt3A_544 : vector<16xi1>
      tpu.vector_store_idx %arg23[%add3A_569], %gather3A_561 masked %and3A_570 {add = true} : memref<16704xf32, #tpu.memory_space<vmem>>[vector<16xi32>], vector<16xf32>, vector<16xi1>
      %mul3A_571 = arith.constant 129 : i32
      %mul3A_572 = vector.broadcast %mul3A_571 : i32 to vector<16xi32>
      %mul3A_573 = arith.muli %gather3A_530, %mul3A_572 : vector<16xi32>
      %add3A_574 = arith.addi %mul3A_573, %gather3A_531 : vector<16xi32>
      %and3A_575 = arith.andi %lt3A_538, %lt3A_541 : vector<16xi1>
      tpu.vector_store_idx %arg23[%add3A_574], %gather3A_565 masked %and3A_575 {add = true} : memref<16704xf32, #tpu.memory_space<vmem>>[vector<16xi32>], vector<16xf32>, vector<16xi1>
      %mul3A_576 = arith.constant 64 : i32
      %mul3A_577 = arith.muli %while3A_520, %mul3A_576 : i32
      %add3A_578 = arith.constant 16 : i32
      %add3A_579 = arith.addi %mul3A_577, %add3A_578 : i32
      %get3A_580 = arith.index_cast %add3A_579 : i32 to index
      %get3A_581 = tpu.vector_load %arg14[%get3A_580] {strides = array<i32>} : memref<1568xi32, #tpu.memory_space<vmem>>, vector<16xi32>,
      %get3A_582 = arith.index_cast %add3A_579 : i32 to index
      %get3A_583 = tpu.vector_load %arg15[%get3A_582] {strides = array<i32>} : memref<1568xi32, #tpu.memory_space<vmem>>, vector<16xi32>,
      %get3A_584 = arith.index_cast %add3A_579 : i32 to index
      %get3A_585 = tpu.vector_load %arg16[%get3A_584] {strides = array<i32>} : memref<1568xi32, #tpu.memory_space<vmem>>, vector<16xi32>,
      %gather3A_586 = tpu.vector_load_idx %arg11[%get3A_581] : memref<10016xi32, #tpu.memory_space<vmem>>[vector<16xi32>], vector<16xi32>,
      %gather3A_587 = tpu.vector_load_idx %arg11[%get3A_583] : memref<10016xi32, #tpu.memory_space<vmem>>[vector<16xi32>], vector<16xi32>,
      %gather3A_588 = tpu.vector_load_idx %arg12[%get3A_581] : memref<10016xi32, #tpu.memory_space<vmem>>[vector<16xi32>], vector<16xi32>,
      %gather3A_589 = tpu.vector_load_idx %arg12[%get3A_583] : memref<10016xi32, #tpu.memory_space<vmem>>[vector<16xi32>], vector<16xi32>,
      %lt3A_590 = arith.constant 128 : i32
      %lt3A_591 = vector.broadcast %lt3A_590 : i32 to vector<16xi32>
      %lt3A_592 = arith.cmpi slt, %gather3A_586, %lt3A_591 : vector<16xi32>
      %lt3A_593 = arith.constant 128 : i32
      %lt3A_594 = vector.broadcast %lt3A_593 : i32 to vector<16xi32>
      %lt3A_595 = arith.cmpi slt, %gather3A_587, %lt3A_594 : vector<16xi32>
      %lt3A_596 = arith.constant 128 : i32
      %lt3A_597 = vector.broadcast %lt3A_596 : i32 to vector<16xi32>
      %lt3A_598 = arith.cmpi slt, %gather3A_588, %lt3A_597 : vector<16xi32>
      %lt3A_599 = arith.constant 128 : i32
      %lt3A_600 = vector.broadcast %lt3A_599 : i32 to vector<16xi32>
      %lt3A_601 = arith.cmpi slt, %gather3A_589, %lt3A_600 : vector<16xi32>
      %gather3A_602 = tpu.vector_load_idx %arg13[%get3A_585] : memref<1664xf32, #tpu.memory_space<vmem>>[vector<16xi32>], vector<16xf32>,
      %add3A_603 = arith.constant 208 : i32
      %add3A_604 = vector.broadcast %add3A_603 : i32 to vector<16xi32>
      %add3A_605 = arith.addi %get3A_585, %add3A_604 : vector<16xi32>
      %gather3A_606 = tpu.vector_load_idx %arg13[%add3A_605] : memref<1664xf32, #tpu.memory_space<vmem>>[vector<16xi32>], vector<16xf32>,
      %add3A_607 = arith.constant 416 : i32
      %add3A_608 = vector.broadcast %add3A_607 : i32 to vector<16xi32>
      %add3A_609 = arith.addi %get3A_585, %add3A_608 : vector<16xi32>
      %gather3A_610 = tpu.vector_load_idx %arg13[%add3A_609] : memref<1664xf32, #tpu.memory_space<vmem>>[vector<16xi32>], vector<16xf32>,
      %add3A_611 = arith.constant 624 : i32
      %add3A_612 = vector.broadcast %add3A_611 : i32 to vector<16xi32>
      %add3A_613 = arith.addi %get3A_585, %add3A_612 : vector<16xi32>
      %gather3A_614 = tpu.vector_load_idx %arg13[%add3A_613] : memref<1664xf32, #tpu.memory_space<vmem>>[vector<16xi32>], vector<16xf32>,
      %add3A_615 = arith.constant 832 : i32
      %add3A_616 = vector.broadcast %add3A_615 : i32 to vector<16xi32>
      %add3A_617 = arith.addi %get3A_585, %add3A_616 : vector<16xi32>
      %gather3A_618 = tpu.vector_load_idx %arg13[%add3A_617] : memref<1664xf32, #tpu.memory_space<vmem>>[vector<16xi32>], vector<16xf32>,
      %add3A_619 = arith.constant 1040 : i32
      %add3A_620 = vector.broadcast %add3A_619 : i32 to vector<16xi32>
      %add3A_621 = arith.addi %get3A_585, %add3A_620 : vector<16xi32>
      %gather3A_622 = tpu.vector_load_idx %arg13[%add3A_621] : memref<1664xf32, #tpu.memory_space<vmem>>[vector<16xi32>], vector<16xf32>,
      tpu.vector_store_idx %arg21[%gather3A_587], %gather3A_602 masked %lt3A_595 {add = true} : memref<144xf32, #tpu.memory_space<vmem>>[vector<16xi32>], vector<16xf32>, vector<16xi1>
      tpu.vector_store_idx %arg21[%gather3A_586], %gather3A_606 masked %lt3A_592 {add = true} : memref<144xf32, #tpu.memory_space<vmem>>[vector<16xi32>], vector<16xf32>, vector<16xi1>
      tpu.vector_store_idx %arg22[%gather3A_589], %gather3A_610 masked %lt3A_601 {add = true} : memref<144xf32, #tpu.memory_space<vmem>>[vector<16xi32>], vector<16xf32>, vector<16xi1>
      tpu.vector_store_idx %arg22[%gather3A_588], %gather3A_614 masked %lt3A_598 {add = true} : memref<144xf32, #tpu.memory_space<vmem>>[vector<16xi32>], vector<16xf32>, vector<16xi1>
      %mul3A_623 = arith.constant 129 : i32
      %mul3A_624 = vector.broadcast %mul3A_623 : i32 to vector<16xi32>
      %mul3A_625 = arith.muli %gather3A_586, %mul3A_624 : vector<16xi32>
      %add3A_626 = arith.addi %mul3A_625, %gather3A_589 : vector<16xi32>
      %and3A_627 = arith.andi %lt3A_592, %lt3A_601 : vector<16xi1>
      tpu.vector_store_idx %arg23[%add3A_626], %gather3A_618 masked %and3A_627 {add = true} : memref<16704xf32, #tpu.memory_space<vmem>>[vector<16xi32>], vector<16xf32>, vector<16xi1>
      %mul3A_628 = arith.constant 129 : i32
      %mul3A_629 = vector.broadcast %mul3A_628 : i32 to vector<16xi32>
      %mul3A_630 = arith.muli %gather3A_587, %mul3A_629 : vector<16xi32>
      %add3A_631 = arith.addi %mul3A_630, %gather3A_588 : vector<16xi32>
      %and3A_632 = arith.andi %lt3A_595, %lt3A_598 : vector<16xi1>
      tpu.vector_store_idx %arg23[%add3A_631], %gather3A_622 masked %and3A_632 {add = true} : memref<16704xf32, #tpu.memory_space<vmem>>[vector<16xi32>], vector<16xf32>, vector<16xi1>
      %mul3A_633 = arith.constant 64 : i32
      %mul3A_634 = arith.muli %while3A_520, %mul3A_633 : i32
      %add3A_635 = arith.constant 32 : i32
      %add3A_636 = arith.addi %mul3A_634, %add3A_635 : i32
      %get3A_637 = arith.index_cast %add3A_636 : i32 to index
      %get3A_638 = tpu.vector_load %arg14[%get3A_637] {strides = array<i32>} : memref<1568xi32, #tpu.memory_space<vmem>>, vector<16xi32>,
      %get3A_639 = arith.index_cast %add3A_636 : i32 to index
      %get3A_640 = tpu.vector_load %arg15[%get3A_639] {strides = array<i32>} : memref<1568xi32, #tpu.memory_space<vmem>>, vector<16xi32>,
      %get3A_641 = arith.index_cast %add3A_636 : i32 to index
      %get3A_642 = tpu.vector_load %arg16[%get3A_641] {strides = array<i32>} : memref<1568xi32, #tpu.memory_space<vmem>>, vector<16xi32>,
      %gather3A_643 = tpu.vector_load_idx %arg11[%get3A_638] : memref<10016xi32, #tpu.memory_space<vmem>>[vector<16xi32>], vector<16xi32>,
      %gather3A_644 = tpu.vector_load_idx %arg11[%get3A_640] : memref<10016xi32, #tpu.memory_space<vmem>>[vector<16xi32>], vector<16xi32>,
      %gather3A_645 = tpu.vector_load_idx %arg12[%get3A_638] : memref<10016xi32, #tpu.memory_space<vmem>>[vector<16xi32>], vector<16xi32>,
      %gather3A_646 = tpu.vector_load_idx %arg12[%get3A_640] : memref<10016xi32, #tpu.memory_space<vmem>>[vector<16xi32>], vector<16xi32>,
      %lt3A_647 = arith.constant 128 : i32
      %lt3A_648 = vector.broadcast %lt3A_647 : i32 to vector<16xi32>
      %lt3A_649 = arith.cmpi slt, %gather3A_643, %lt3A_648 : vector<16xi32>
      %lt3A_650 = arith.constant 128 : i32
      %lt3A_651 = vector.broadcast %lt3A_650 : i32 to vector<16xi32>
      %lt3A_652 = arith.cmpi slt, %gather3A_644, %lt3A_651 : vector<16xi32>
      %lt3A_653 = arith.constant 128 : i32
      %lt3A_654 = vector.broadcast %lt3A_653 : i32 to vector<16xi32>
      %lt3A_655 = arith.cmpi slt, %gather3A_645, %lt3A_654 : vector<16xi32>
      %lt3A_656 = arith.constant 128 : i32
      %lt3A_657 = vector.broadcast %lt3A_656 : i32 to vector<16xi32>
      %lt3A_658 = arith.cmpi slt, %gather3A_646, %lt3A_657 : vector<16xi32>
      %gather3A_659 = tpu.vector_load_idx %arg13[%get3A_642] : memref<1664xf32, #tpu.memory_space<vmem>>[vector<16xi32>], vector<16xf32>,
      %add3A_660 = arith.constant 208 : i32
      %add3A_661 = vector.broadcast %add3A_660 : i32 to vector<16xi32>
      %add3A_662 = arith.addi %get3A_642, %add3A_661 : vector<16xi32>
      %gather3A_663 = tpu.vector_load_idx %arg13[%add3A_662] : memref<1664xf32, #tpu.memory_space<vmem>>[vector<16xi32>], vector<16xf32>,
      %add3A_664 = arith.constant 416 : i32
      %add3A_665 = vector.broadcast %add3A_664 : i32 to vector<16xi32>
      %add3A_666 = arith.addi %get3A_642, %add3A_665 : vector<16xi32>
      %gather3A_667 = tpu.vector_load_idx %arg13[%add3A_666] : memref<1664xf32, #tpu.memory_space<vmem>>[vector<16xi32>], vector<16xf32>,
      %add3A_668 = arith.constant 624 : i32
      %add3A_669 = vector.broadcast %add3A_668 : i32 to vector<16xi32>
      %add3A_670 = arith.addi %get3A_642, %add3A_669 : vector<16xi32>
      %gather3A_671 = tpu.vector_load_idx %arg13[%add3A_670] : memref<1664xf32, #tpu.memory_space<vmem>>[vector<16xi32>], vector<16xf32>,
      %add3A_672 = arith.constant 832 : i32
      %add3A_673 = vector.broadcast %add3A_672 : i32 to vector<16xi32>
      %add3A_674 = arith.addi %get3A_642, %add3A_673 : vector<16xi32>
      %gather3A_675 = tpu.vector_load_idx %arg13[%add3A_674] : memref<1664xf32, #tpu.memory_space<vmem>>[vector<16xi32>], vector<16xf32>,
      %add3A_676 = arith.constant 1040 : i32
      %add3A_677 = vector.broadcast %add3A_676 : i32 to vector<16xi32>
      %add3A_678 = arith.addi %get3A_642, %add3A_677 : vector<16xi32>
      %gather3A_679 = tpu.vector_load_idx %arg13[%add3A_678] : memref<1664xf32, #tpu.memory_space<vmem>>[vector<16xi32>], vector<16xf32>,
      tpu.vector_store_idx %arg21[%gather3A_644], %gather3A_659 masked %lt3A_652 {add = true} : memref<144xf32, #tpu.memory_space<vmem>>[vector<16xi32>], vector<16xf32>, vector<16xi1>
      tpu.vector_store_idx %arg21[%gather3A_643], %gather3A_663 masked %lt3A_649 {add = true} : memref<144xf32, #tpu.memory_space<vmem>>[vector<16xi32>], vector<16xf32>, vector<16xi1>
      tpu.vector_store_idx %arg22[%gather3A_646], %gather3A_667 masked %lt3A_658 {add = true} : memref<144xf32, #tpu.memory_space<vmem>>[vector<16xi32>], vector<16xf32>, vector<16xi1>
      tpu.vector_store_idx %arg22[%gather3A_645], %gather3A_671 masked %lt3A_655 {add = true} : memref<144xf32, #tpu.memory_space<vmem>>[vector<16xi32>], vector<16xf32>, vector<16xi1>
      %mul3A_680 = arith.constant 129 : i32
      %mul3A_681 = vector.broadcast %mul3A_680 : i32 to vector<16xi32>
      %mul3A_682 = arith.muli %gather3A_643, %mul3A_681 : vector<16xi32>
      %add3A_683 = arith.addi %mul3A_682, %gather3A_646 : vector<16xi32>
      %and3A_684 = arith.andi %lt3A_649, %lt3A_658 : vector<16xi1>
      tpu.vector_store_idx %arg23[%add3A_683], %gather3A_675 masked %and3A_684 {add = true} : memref<16704xf32, #tpu.memory_space<vmem>>[vector<16xi32>], vector<16xf32>, vector<16xi1>
      %mul3A_685 = arith.constant 129 : i32
      %mul3A_686 = vector.broadcast %mul3A_685 : i32 to vector<16xi32>
      %mul3A_687 = arith.muli %gather3A_644, %mul3A_686 : vector<16xi32>
      %add3A_688 = arith.addi %mul3A_687, %gather3A_645 : vector<16xi32>
      %and3A_689 = arith.andi %lt3A_652, %lt3A_655 : vector<16xi1>
      tpu.vector_store_idx %arg23[%add3A_688], %gather3A_679 masked %and3A_689 {add = true} : memref<16704xf32, #tpu.memory_space<vmem>>[vector<16xi32>], vector<16xf32>, vector<16xi1>
      %mul3A_690 = arith.constant 64 : i32
      %mul3A_691 = arith.muli %while3A_520, %mul3A_690 : i32
      %add3A_692 = arith.constant 48 : i32
      %add3A_693 = arith.addi %mul3A_691, %add3A_692 : i32
      %get3A_694 = arith.index_cast %add3A_693 : i32 to index
      %get3A_695 = tpu.vector_load %arg14[%get3A_694] {strides = array<i32>} : memref<1568xi32, #tpu.memory_space<vmem>>, vector<16xi32>,
      %get3A_696 = arith.index_cast %add3A_693 : i32 to index
      %get3A_697 = tpu.vector_load %arg15[%get3A_696] {strides = array<i32>} : memref<1568xi32, #tpu.memory_space<vmem>>, vector<16xi32>,
      %get3A_698 = arith.index_cast %add3A_693 : i32 to index
      %get3A_699 = tpu.vector_load %arg16[%get3A_698] {strides = array<i32>} : memref<1568xi32, #tpu.memory_space<vmem>>, vector<16xi32>,
      %gather3A_700 = tpu.vector_load_idx %arg11[%get3A_695] : memref<10016xi32, #tpu.memory_space<vmem>>[vector<16xi32>], vector<16xi32>,
      %gather3A_701 = tpu.vector_load_idx %arg11[%get3A_697] : memref<10016xi32, #tpu.memory_space<vmem>>[vector<16xi32>], vector<16xi32>,
      %gather3A_702 = tpu.vector_load_idx %arg12[%get3A_695] : memref<10016xi32, #tpu.memory_space<vmem>>[vector<16xi32>], vector<16xi32>,
      %gather3A_703 = tpu.vector_load_idx %arg12[%get3A_697] : memref<10016xi32, #tpu.memory_space<vmem>>[vector<16xi32>], vector<16xi32>,
      %lt3A_704 = arith.constant 128 : i32
      %lt3A_705 = vector.broadcast %lt3A_704 : i32 to vector<16xi32>
      %lt3A_706 = arith.cmpi slt, %gather3A_700, %lt3A_705 : vector<16xi32>
      %lt3A_707 = arith.constant 128 : i32
      %lt3A_708 = vector.broadcast %lt3A_707 : i32 to vector<16xi32>
      %lt3A_709 = arith.cmpi slt, %gather3A_701, %lt3A_708 : vector<16xi32>
      %lt3A_710 = arith.constant 128 : i32
      %lt3A_711 = vector.broadcast %lt3A_710 : i32 to vector<16xi32>
      %lt3A_712 = arith.cmpi slt, %gather3A_702, %lt3A_711 : vector<16xi32>
      %lt3A_713 = arith.constant 128 : i32
      %lt3A_714 = vector.broadcast %lt3A_713 : i32 to vector<16xi32>
      %lt3A_715 = arith.cmpi slt, %gather3A_703, %lt3A_714 : vector<16xi32>
      %gather3A_716 = tpu.vector_load_idx %arg13[%get3A_699] : memref<1664xf32, #tpu.memory_space<vmem>>[vector<16xi32>], vector<16xf32>,
      %add3A_717 = arith.constant 208 : i32
      %add3A_718 = vector.broadcast %add3A_717 : i32 to vector<16xi32>
      %add3A_719 = arith.addi %get3A_699, %add3A_718 : vector<16xi32>
      %gather3A_720 = tpu.vector_load_idx %arg13[%add3A_719] : memref<1664xf32, #tpu.memory_space<vmem>>[vector<16xi32>], vector<16xf32>,
      %add3A_721 = arith.constant 416 : i32
      %add3A_722 = vector.broadcast %add3A_721 : i32 to vector<16xi32>
      %add3A_723 = arith.addi %get3A_699, %add3A_722 : vector<16xi32>
      %gather3A_724 = tpu.vector_load_idx %arg13[%add3A_723] : memref<1664xf32, #tpu.memory_space<vmem>>[vector<16xi32>], vector<16xf32>,
      %add3A_725 = arith.constant 624 : i32
      %add3A_726 = vector.broadcast %add3A_725 : i32 to vector<16xi32>
      %add3A_727 = arith.addi %get3A_699, %add3A_726 : vector<16xi32>
      %gather3A_728 = tpu.vector_load_idx %arg13[%add3A_727] : memref<1664xf32, #tpu.memory_space<vmem>>[vector<16xi32>], vector<16xf32>,
      %add3A_729 = arith.constant 832 : i32
      %add3A_730 = vector.broadcast %add3A_729 : i32 to vector<16xi32>
      %add3A_731 = arith.addi %get3A_699, %add3A_730 : vector<16xi32>
      %gather3A_732 = tpu.vector_load_idx %arg13[%add3A_731] : memref<1664xf32, #tpu.memory_space<vmem>>[vector<16xi32>], vector<16xf32>,
      %add3A_733 = arith.constant 1040 : i32
      %add3A_734 = vector.broadcast %add3A_733 : i32 to vector<16xi32>
      %add3A_735 = arith.addi %get3A_699, %add3A_734 : vector<16xi32>
      %gather3A_736 = tpu.vector_load_idx %arg13[%add3A_735] : memref<1664xf32, #tpu.memory_space<vmem>>[vector<16xi32>], vector<16xf32>,
      tpu.vector_store_idx %arg21[%gather3A_701], %gather3A_716 masked %lt3A_709 {add = true} : memref<144xf32, #tpu.memory_space<vmem>>[vector<16xi32>], vector<16xf32>, vector<16xi1>
      tpu.vector_store_idx %arg21[%gather3A_700], %gather3A_720 masked %lt3A_706 {add = true} : memref<144xf32, #tpu.memory_space<vmem>>[vector<16xi32>], vector<16xf32>, vector<16xi1>
      tpu.vector_store_idx %arg22[%gather3A_703], %gather3A_724 masked %lt3A_715 {add = true} : memref<144xf32, #tpu.memory_space<vmem>>[vector<16xi32>], vector<16xf32>, vector<16xi1>
      tpu.vector_store_idx %arg22[%gather3A_702], %gather3A_728 masked %lt3A_712 {add = true} : memref<144xf32, #tpu.memory_space<vmem>>[vector<16xi32>], vector<16xf32>, vector<16xi1>
      %mul3A_737 = arith.constant 129 : i32
      %mul3A_738 = vector.broadcast %mul3A_737 : i32 to vector<16xi32>
      %mul3A_739 = arith.muli %gather3A_700, %mul3A_738 : vector<16xi32>
      %add3A_740 = arith.addi %mul3A_739, %gather3A_703 : vector<16xi32>
      %and3A_741 = arith.andi %lt3A_706, %lt3A_715 : vector<16xi1>
      tpu.vector_store_idx %arg23[%add3A_740], %gather3A_732 masked %and3A_741 {add = true} : memref<16704xf32, #tpu.memory_space<vmem>>[vector<16xi32>], vector<16xf32>, vector<16xi1>
      %mul3A_742 = arith.constant 129 : i32
      %mul3A_743 = vector.broadcast %mul3A_742 : i32 to vector<16xi32>
      %mul3A_744 = arith.muli %gather3A_701, %mul3A_743 : vector<16xi32>
      %add3A_745 = arith.addi %mul3A_744, %gather3A_702 : vector<16xi32>
      %and3A_746 = arith.andi %lt3A_709, %lt3A_712 : vector<16xi1>
      tpu.vector_store_idx %arg23[%add3A_745], %gather3A_736 masked %and3A_746 {add = true} : memref<16704xf32, #tpu.memory_space<vmem>>[vector<16xi32>], vector<16xf32>, vector<16xi1>
    }
    %while3A_232 = arith.constant 1 : i32
    scf.for %while3A_520 = %while3A_230 to %while3A_226 step %while3A_232  : i32 {
      %mul3A_521 = arith.constant 64 : i32
      %mul3A_522 = arith.muli %while3A_520, %mul3A_521 : i32
      %get3A_523 = arith.index_cast %mul3A_522 : i32 to index
      %get3A_524 = tpu.vector_load %arg14[%get3A_523] {strides = array<i32>} : memref<1568xi32, #tpu.memory_space<vmem>>, vector<16xi32>,
      %get3A_525 = arith.index_cast %mul3A_522 : i32 to index
      %get3A_526 = tpu.vector_load %arg15[%get3A_525] {strides = array<i32>} : memref<1568xi32, #tpu.memory_space<vmem>>, vector<16xi32>,
      %get3A_527 = arith.index_cast %mul3A_522 : i32 to index
      %get3A_528 = tpu.vector_load %arg16[%get3A_527] {strides = array<i32>} : memref<1568xi32, #tpu.memory_space<vmem>>, vector<16xi32>,
      %gather3A_529 = tpu.vector_load_idx %arg11[%get3A_524] : memref<10016xi32, #tpu.memory_space<vmem>>[vector<16xi32>], vector<16xi32>,
      %gather3A_530 = tpu.vector_load_idx %arg11[%get3A_526] : memref<10016xi32, #tpu.memory_space<vmem>>[vector<16xi32>], vector<16xi32>,
      %gather3A_531 = tpu.vector_load_idx %arg12[%get3A_524] : memref<10016xi32, #tpu.memory_space<vmem>>[vector<16xi32>], vector<16xi32>,
      %gather3A_532 = tpu.vector_load_idx %arg12[%get3A_526] : memref<10016xi32, #tpu.memory_space<vmem>>[vector<16xi32>], vector<16xi32>,
      %lt3A_533 = arith.constant 128 : i32
      %lt3A_534 = vector.broadcast %lt3A_533 : i32 to vector<16xi32>
      %lt3A_535 = arith.cmpi slt, %gather3A_529, %lt3A_534 : vector<16xi32>
      %lt3A_536 = arith.constant 128 : i32
      %lt3A_537 = vector.broadcast %lt3A_536 : i32 to vector<16xi32>
      %lt3A_538 = arith.cmpi slt, %gather3A_530, %lt3A_537 : vector<16xi32>
      %lt3A_539 = arith.constant 128 : i32
      %lt3A_540 = vector.broadcast %lt3A_539 : i32 to vector<16xi32>
      %lt3A_541 = arith.cmpi slt, %gather3A_531, %lt3A_540 : vector<16xi32>
      %lt3A_542 = arith.constant 128 : i32
      %lt3A_543 = vector.broadcast %lt3A_542 : i32 to vector<16xi32>
      %lt3A_544 = arith.cmpi slt, %gather3A_532, %lt3A_543 : vector<16xi32>
      %gather3A_545 = tpu.vector_load_idx %arg13[%get3A_528] : memref<1664xf32, #tpu.memory_space<vmem>>[vector<16xi32>], vector<16xf32>,
      %add3A_546 = arith.constant 208 : i32
      %add3A_547 = vector.broadcast %add3A_546 : i32 to vector<16xi32>
      %add3A_548 = arith.addi %get3A_528, %add3A_547 : vector<16xi32>
      %gather3A_549 = tpu.vector_load_idx %arg13[%add3A_548] : memref<1664xf32, #tpu.memory_space<vmem>>[vector<16xi32>], vector<16xf32>,
      %add3A_550 = arith.constant 416 : i32
      %add3A_551 = vector.broadcast %add3A_550 : i32 to vector<16xi32>
      %add3A_552 = arith.addi %get3A_528, %add3A_551 : vector<16xi32>
      %gather3A_553 = tpu.vector_load_idx %arg13[%add3A_552] : memref<1664xf32, #tpu.memory_space<vmem>>[vector<16xi32>], vector<16xf32>,
      %add3A_554 = arith.constant 624 : i32
      %add3A_555 = vector.broadcast %add3A_554 : i32 to vector<16xi32>
      %add3A_556 = arith.addi %get3A_528, %add3A_555 : vector<16xi32>
      %gather3A_557 = tpu.vector_load_idx %arg13[%add3A_556] : memref<1664xf32, #tpu.memory_space<vmem>>[vector<16xi32>], vector<16xf32>,
      %add3A_558 = arith.constant 832 : i32
      %add3A_559 = vector.broadcast %add3A_558 : i32 to vector<16xi32>
      %add3A_560 = arith.addi %get3A_528, %add3A_559 : vector<16xi32>
      %gather3A_561 = tpu.vector_load_idx %arg13[%add3A_560] : memref<1664xf32, #tpu.memory_space<vmem>>[vector<16xi32>], vector<16xf32>,
      %add3A_562 = arith.constant 1040 : i32
      %add3A_563 = vector.broadcast %add3A_562 : i32 to vector<16xi32>
      %add3A_564 = arith.addi %get3A_528, %add3A_563 : vector<16xi32>
      %gather3A_565 = tpu.vector_load_idx %arg13[%add3A_564] : memref<1664xf32, #tpu.memory_space<vmem>>[vector<16xi32>], vector<16xf32>,
      tpu.vector_store_idx %arg21[%gather3A_530], %gather3A_545 masked %lt3A_538 {add = true} : memref<144xf32, #tpu.memory_space<vmem>>[vector<16xi32>], vector<16xf32>, vector<16xi1>
      tpu.vector_store_idx %arg21[%gather3A_529], %gather3A_549 masked %lt3A_535 {add = true} : memref<144xf32, #tpu.memory_space<vmem>>[vector<16xi32>], vector<16xf32>, vector<16xi1>
      tpu.vector_store_idx %arg22[%gather3A_532], %gather3A_553 masked %lt3A_544 {add = true} : memref<144xf32, #tpu.memory_space<vmem>>[vector<16xi32>], vector<16xf32>, vector<16xi1>
      tpu.vector_store_idx %arg22[%gather3A_531], %gather3A_557 masked %lt3A_541 {add = true} : memref<144xf32, #tpu.memory_space<vmem>>[vector<16xi32>], vector<16xf32>, vector<16xi1>
      %mul3A_566 = arith.constant 129 : i32
      %mul3A_567 = vector.broadcast %mul3A_566 : i32 to vector<16xi32>
      %mul3A_568 = arith.muli %gather3A_529, %mul3A_567 : vector<16xi32>
      %add3A_569 = arith.addi %mul3A_568, %gather3A_532 : vector<16xi32>
      %and3A_570 = arith.andi %lt3A_535, %lt3A_544 : vector<16xi1>
      tpu.vector_store_idx %arg23[%add3A_569], %gather3A_561 masked %and3A_570 {add = true} : memref<16704xf32, #tpu.memory_space<vmem>>[vector<16xi32>], vector<16xf32>, vector<16xi1>
      %mul3A_571 = arith.constant 129 : i32
      %mul3A_572 = vector.broadcast %mul3A_571 : i32 to vector<16xi32>
      %mul3A_573 = arith.muli %gather3A_530, %mul3A_572 : vector<16xi32>
      %add3A_574 = arith.addi %mul3A_573, %gather3A_531 : vector<16xi32>
      %and3A_575 = arith.andi %lt3A_538, %lt3A_541 : vector<16xi1>
      tpu.vector_store_idx %arg23[%add3A_574], %gather3A_565 masked %and3A_575 {add = true} : memref<16704xf32, #tpu.memory_space<vmem>>[vector<16xi32>], vector<16xf32>, vector<16xi1>
      %mul3A_576 = arith.constant 64 : i32
      %mul3A_577 = arith.muli %while3A_520, %mul3A_576 : i32
      %add3A_578 = arith.constant 16 : i32
      %add3A_579 = arith.addi %mul3A_577, %add3A_578 : i32
      %get3A_580 = arith.index_cast %add3A_579 : i32 to index
      %get3A_581 = tpu.vector_load %arg14[%get3A_580] {strides = array<i32>} : memref<1568xi32, #tpu.memory_space<vmem>>, vector<16xi32>,
      %get3A_582 = arith.index_cast %add3A_579 : i32 to index
      %get3A_583 = tpu.vector_load %arg15[%get3A_582] {strides = array<i32>} : memref<1568xi32, #tpu.memory_space<vmem>>, vector<16xi32>,
      %get3A_584 = arith.index_cast %add3A_579 : i32 to index
      %get3A_585 = tpu.vector_load %arg16[%get3A_584] {strides = array<i32>} : memref<1568xi32, #tpu.memory_space<vmem>>, vector<16xi32>,
      %gather3A_586 = tpu.vector_load_idx %arg11[%get3A_581] : memref<10016xi32, #tpu.memory_space<vmem>>[vector<16xi32>], vector<16xi32>,
      %gather3A_587 = tpu.vector_load_idx %arg11[%get3A_583] : memref<10016xi32, #tpu.memory_space<vmem>>[vector<16xi32>], vector<16xi32>,
      %gather3A_588 = tpu.vector_load_idx %arg12[%get3A_581] : memref<10016xi32, #tpu.memory_space<vmem>>[vector<16xi32>], vector<16xi32>,
      %gather3A_589 = tpu.vector_load_idx %arg12[%get3A_583] : memref<10016xi32, #tpu.memory_space<vmem>>[vector<16xi32>], vector<16xi32>,
      %lt3A_590 = arith.constant 128 : i32
      %lt3A_591 = vector.broadcast %lt3A_590 : i32 to vector<16xi32>
      %lt3A_592 = arith.cmpi slt, %gather3A_586, %lt3A_591 : vector<16xi32>
      %lt3A_593 = arith.constant 128 : i32
      %lt3A_594 = vector.broadcast %lt3A_593 : i32 to vector<16xi32>
      %lt3A_595 = arith.cmpi slt, %gather3A_587, %lt3A_594 : vector<16xi32>
      %lt3A_596 = arith.constant 128 : i32
      %lt3A_597 = vector.broadcast %lt3A_596 : i32 to vector<16xi32>
      %lt3A_598 = arith.cmpi slt, %gather3A_588, %lt3A_597 : vector<16xi32>
      %lt3A_599 = arith.constant 128 : i32
      %lt3A_600 = vector.broadcast %lt3A_599 : i32 to vector<16xi32>
      %lt3A_601 = arith.cmpi slt, %gather3A_589, %lt3A_600 : vector<16xi32>
      %gather3A_602 = tpu.vector_load_idx %arg13[%get3A_585] : memref<1664xf32, #tpu.memory_space<vmem>>[vector<16xi32>], vector<16xf32>,
      %add3A_603 = arith.constant 208 : i32
      %add3A_604 = vector.broadcast %add3A_603 : i32 to vector<16xi32>
      %add3A_605 = arith.addi %get3A_585, %add3A_604 : vector<16xi32>
      %gather3A_606 = tpu.vector_load_idx %arg13[%add3A_605] : memref<1664xf32, #tpu.memory_space<vmem>>[vector<16xi32>], vector<16xf32>,
      %add3A_607 = arith.constant 416 : i32
      %add3A_608 = vector.broadcast %add3A_607 : i32 to vector<16xi32>
      %add3A_609 = arith.addi %get3A_585, %add3A_608 : vector<16xi32>
      %gather3A_610 = tpu.vector_load_idx %arg13[%add3A_609] : memref<1664xf32, #tpu.memory_space<vmem>>[vector<16xi32>], vector<16xf32>,
      %add3A_611 = arith.constant 624 : i32
      %add3A_612 = vector.broadcast %add3A_611 : i32 to vector<16xi32>
      %add3A_613 = arith.addi %get3A_585, %add3A_612 : vector<16xi32>
      %gather3A_614 = tpu.vector_load_idx %arg13[%add3A_613] : memref<1664xf32, #tpu.memory_space<vmem>>[vector<16xi32>], vector<16xf32>,
      %add3A_615 = arith.constant 832 : i32
      %add3A_616 = vector.broadcast %add3A_615 : i32 to vector<16xi32>
      %add3A_617 = arith.addi %get3A_585, %add3A_616 : vector<16xi32>
      %gather3A_618 = tpu.vector_load_idx %arg13[%add3A_617] : memref<1664xf32, #tpu.memory_space<vmem>>[vector<16xi32>], vector<16xf32>,
      %add3A_619 = arith.constant 1040 : i32
      %add3A_620 = vector.broadcast %add3A_619 : i32 to vector<16xi32>
      %add3A_621 = arith.addi %get3A_585, %add3A_620 : vector<16xi32>
      %gather3A_622 = tpu.vector_load_idx %arg13[%add3A_621] : memref<1664xf32, #tpu.memory_space<vmem>>[vector<16xi32>], vector<16xf32>,
      tpu.vector_store_idx %arg21[%gather3A_587], %gather3A_602 masked %lt3A_595 {add = true} : memref<144xf32, #tpu.memory_space<vmem>>[vector<16xi32>], vector<16xf32>, vector<16xi1>
      tpu.vector_store_idx %arg21[%gather3A_586], %gather3A_606 masked %lt3A_592 {add = true} : memref<144xf32, #tpu.memory_space<vmem>>[vector<16xi32>], vector<16xf32>, vector<16xi1>
      tpu.vector_store_idx %arg22[%gather3A_589], %gather3A_610 masked %lt3A_601 {add = true} : memref<144xf32, #tpu.memory_space<vmem>>[vector<16xi32>], vector<16xf32>, vector<16xi1>
      tpu.vector_store_idx %arg22[%gather3A_588], %gather3A_614 masked %lt3A_598 {add = true} : memref<144xf32, #tpu.memory_space<vmem>>[vector<16xi32>], vector<16xf32>, vector<16xi1>
      %mul3A_623 = arith.constant 129 : i32
      %mul3A_624 = vector.broadcast %mul3A_623 : i32 to vector<16xi32>
      %mul3A_625 = arith.muli %gather3A_586, %mul3A_624 : vector<16xi32>
      %add3A_626 = arith.addi %mul3A_625, %gather3A_589 : vector<16xi32>
      %and3A_627 = arith.andi %lt3A_592, %lt3A_601 : vector<16xi1>
      tpu.vector_store_idx %arg23[%add3A_626], %gather3A_618 masked %and3A_627 {add = true} : memref<16704xf32, #tpu.memory_space<vmem>>[vector<16xi32>], vector<16xf32>, vector<16xi1>
      %mul3A_628 = arith.constant 129 : i32
      %mul3A_629 = vector.broadcast %mul3A_628 : i32 to vector<16xi32>
      %mul3A_630 = arith.muli %gather3A_587, %mul3A_629 : vector<16xi32>
      %add3A_631 = arith.addi %mul3A_630, %gather3A_588 : vector<16xi32>
      %and3A_632 = arith.andi %lt3A_595, %lt3A_598 : vector<16xi1>
      tpu.vector_store_idx %arg23[%add3A_631], %gather3A_622 masked %and3A_632 {add = true} : memref<16704xf32, #tpu.memory_space<vmem>>[vector<16xi32>], vector<16xf32>, vector<16xi1>
      %mul3A_633 = arith.constant 64 : i32
      %mul3A_634 = arith.muli %while3A_520, %mul3A_633 : i32
      %add3A_635 = arith.constant 32 : i32
      %add3A_636 = arith.addi %mul3A_634, %add3A_635 : i32
      %get3A_637 = arith.index_cast %add3A_636 : i32 to index
      %get3A_638 = tpu.vector_load %arg14[%get3A_637] {strides = array<i32>} : memref<1568xi32, #tpu.memory_space<vmem>>, vector<16xi32>,
      %get3A_639 = arith.index_cast %add3A_636 : i32 to index
      %get3A_640 = tpu.vector_load %arg15[%get3A_639] {strides = array<i32>} : memref<1568xi32, #tpu.memory_space<vmem>>, vector<16xi32>,
      %get3A_641 = arith.index_cast %add3A_636 : i32 to index
      %get3A_642 = tpu.vector_load %arg16[%get3A_641] {strides = array<i32>} : memref<1568xi32, #tpu.memory_space<vmem>>, vector<16xi32>,
      %gather3A_643 = tpu.vector_load_idx %arg11[%get3A_638] : memref<10016xi32, #tpu.memory_space<vmem>>[vector<16xi32>], vector<16xi32>,
      %gather3A_644 = tpu.vector_load_idx %arg11[%get3A_640] : memref<10016xi32, #tpu.memory_space<vmem>>[vector<16xi32>], vector<16xi32>,
      %gather3A_645 = tpu.vector_load_idx %arg12[%get3A_638] : memref<10016xi32, #tpu.memory_space<vmem>>[vector<16xi32>], vector<16xi32>,
      %gather3A_646 = tpu.vector_load_idx %arg12[%get3A_640] : memref<10016xi32, #tpu.memory_space<vmem>>[vector<16xi32>], vector<16xi32>,
      %lt3A_647 = arith.constant 128 : i32
      %lt3A_648 = vector.broadcast %lt3A_647 : i32 to vector<16xi32>
      %lt3A_649 = arith.cmpi slt, %gather3A_643, %lt3A_648 : vector<16xi32>
      %lt3A_650 = arith.constant 128 : i32
      %lt3A_651 = vector.broadcast %lt3A_650 : i32 to vector<16xi32>
      %lt3A_652 = arith.cmpi slt, %gather3A_644, %lt3A_651 : vector<16xi32>
      %lt3A_653 = arith.constant 128 : i32
      %lt3A_654 = vector.broadcast %lt3A_653 : i32 to vector<16xi32>
      %lt3A_655 = arith.cmpi slt, %gather3A_645, %lt3A_654 : vector<16xi32>
      %lt3A_656 = arith.constant 128 : i32
      %lt3A_657 = vector.broadcast %lt3A_656 : i32 to vector<16xi32>
      %lt3A_658 = arith.cmpi slt, %gather3A_646, %lt3A_657 : vector<16xi32>
      %gather3A_659 = tpu.vector_load_idx %arg13[%get3A_642] : memref<1664xf32, #tpu.memory_space<vmem>>[vector<16xi32>], vector<16xf32>,
      %add3A_660 = arith.constant 208 : i32
      %add3A_661 = vector.broadcast %add3A_660 : i32 to vector<16xi32>
      %add3A_662 = arith.addi %get3A_642, %add3A_661 : vector<16xi32>
      %gather3A_663 = tpu.vector_load_idx %arg13[%add3A_662] : memref<1664xf32, #tpu.memory_space<vmem>>[vector<16xi32>], vector<16xf32>,
      %add3A_664 = arith.constant 416 : i32
      %add3A_665 = vector.broadcast %add3A_664 : i32 to vector<16xi32>
      %add3A_666 = arith.addi %get3A_642, %add3A_665 : vector<16xi32>
      %gather3A_667 = tpu.vector_load_idx %arg13[%add3A_666] : memref<1664xf32, #tpu.memory_space<vmem>>[vector<16xi32>], vector<16xf32>,
      %add3A_668 = arith.constant 624 : i32
      %add3A_669 = vector.broadcast %add3A_668 : i32 to vector<16xi32>
      %add3A_670 = arith.addi %get3A_642, %add3A_669 : vector<16xi32>
      %gather3A_671 = tpu.vector_load_idx %arg13[%add3A_670] : memref<1664xf32, #tpu.memory_space<vmem>>[vector<16xi32>], vector<16xf32>,
      %add3A_672 = arith.constant 832 : i32
      %add3A_673 = vector.broadcast %add3A_672 : i32 to vector<16xi32>
      %add3A_674 = arith.addi %get3A_642, %add3A_673 : vector<16xi32>
      %gather3A_675 = tpu.vector_load_idx %arg13[%add3A_674] : memref<1664xf32, #tpu.memory_space<vmem>>[vector<16xi32>], vector<16xf32>,
      %add3A_676 = arith.constant 1040 : i32
      %add3A_677 = vector.broadcast %add3A_676 : i32 to vector<16xi32>
      %add3A_678 = arith.addi %get3A_642, %add3A_677 : vector<16xi32>
      %gather3A_679 = tpu.vector_load_idx %arg13[%add3A_678] : memref<1664xf32, #tpu.memory_space<vmem>>[vector<16xi32>], vector<16xf32>,
      tpu.vector_store_idx %arg21[%gather3A_644], %gather3A_659 masked %lt3A_652 {add = true} : memref<144xf32, #tpu.memory_space<vmem>>[vector<16xi32>], vector<16xf32>, vector<16xi1>
      tpu.vector_store_idx %arg21[%gather3A_643], %gather3A_663 masked %lt3A_649 {add = true} : memref<144xf32, #tpu.memory_space<vmem>>[vector<16xi32>], vector<16xf32>, vector<16xi1>
      tpu.vector_store_idx %arg22[%gather3A_646], %gather3A_667 masked %lt3A_658 {add = true} : memref<144xf32, #tpu.memory_space<vmem>>[vector<16xi32>], vector<16xf32>, vector<16xi1>
      tpu.vector_store_idx %arg22[%gather3A_645], %gather3A_671 masked %lt3A_655 {add = true} : memref<144xf32, #tpu.memory_space<vmem>>[vector<16xi32>], vector<16xf32>, vector<16xi1>
      %mul3A_680 = arith.constant 129 : i32
      %mul3A_681 = vector.broadcast %mul3A_680 : i32 to vector<16xi32>
      %mul3A_682 = arith.muli %gather3A_643, %mul3A_681 : vector<16xi32>
      %add3A_683 = arith.addi %mul3A_682, %gather3A_646 : vector<16xi32>
      %and3A_684 = arith.andi %lt3A_649, %lt3A_658 : vector<16xi1>
      tpu.vector_store_idx %arg23[%add3A_683], %gather3A_675 masked %and3A_684 {add = true} : memref<16704xf32, #tpu.memory_space<vmem>>[vector<16xi32>], vector<16xf32>, vector<16xi1>
      %mul3A_685 = arith.constant 129 : i32
      %mul3A_686 = vector.broadcast %mul3A_685 : i32 to vector<16xi32>
      %mul3A_687 = arith.muli %gather3A_644, %mul3A_686 : vector<16xi32>
      %add3A_688 = arith.addi %mul3A_687, %gather3A_645 : vector<16xi32>
      %and3A_689 = arith.andi %lt3A_652, %lt3A_655 : vector<16xi1>
      tpu.vector_store_idx %arg23[%add3A_688], %gather3A_679 masked %and3A_689 {add = true} : memref<16704xf32, #tpu.memory_space<vmem>>[vector<16xi32>], vector<16xf32>, vector<16xi1>
      %mul3A_690 = arith.constant 64 : i32
      %mul3A_691 = arith.muli %while3A_520, %mul3A_690 : i32
      %add3A_692 = arith.constant 48 : i32
      %add3A_693 = arith.addi %mul3A_691, %add3A_692 : i32
      %get3A_694 = arith.index_cast %add3A_693 : i32 to index
      %get3A_695 = tpu.vector_load %arg14[%get3A_694] {strides = array<i32>} : memref<1568xi32, #tpu.memory_space<vmem>>, vector<16xi32>,
      %get3A_696 = arith.index_cast %add3A_693 : i32 to index
      %get3A_697 = tpu.vector_load %arg15[%get3A_696] {strides = array<i32>} : memref<1568xi32, #tpu.memory_space<vmem>>, vector<16xi32>,
      %get3A_698 = arith.index_cast %add3A_693 : i32 to index
      %get3A_699 = tpu.vector_load %arg16[%get3A_698] {strides = array<i32>} : memref<1568xi32, #tpu.memory_space<vmem>>, vector<16xi32>,
      %gather3A_700 = tpu.vector_load_idx %arg11[%get3A_695] : memref<10016xi32, #tpu.memory_space<vmem>>[vector<16xi32>], vector<16xi32>,
      %gather3A_701 = tpu.vector_load_idx %arg11[%get3A_697] : memref<10016xi32, #tpu.memory_space<vmem>>[vector<16xi32>], vector<16xi32>,
      %gather3A_702 = tpu.vector_load_idx %arg12[%get3A_695] : memref<10016xi32, #tpu.memory_space<vmem>>[vector<16xi32>], vector<16xi32>,
      %gather3A_703 = tpu.vector_load_idx %arg12[%get3A_697] : memref<10016xi32, #tpu.memory_space<vmem>>[vector<16xi32>], vector<16xi32>,
      %lt3A_704 = arith.constant 128 : i32
      %lt3A_705 = vector.broadcast %lt3A_704 : i32 to vector<16xi32>
      %lt3A_706 = arith.cmpi slt, %gather3A_700, %lt3A_705 : vector<16xi32>
      %lt3A_707 = arith.constant 128 : i32
      %lt3A_708 = vector.broadcast %lt3A_707 : i32 to vector<16xi32>
      %lt3A_709 = arith.cmpi slt, %gather3A_701, %lt3A_708 : vector<16xi32>
      %lt3A_710 = arith.constant 128 : i32
      %lt3A_711 = vector.broadcast %lt3A_710 : i32 to vector<16xi32>
      %lt3A_712 = arith.cmpi slt, %gather3A_702, %lt3A_711 : vector<16xi32>
      %lt3A_713 = arith.constant 128 : i32
      %lt3A_714 = vector.broadcast %lt3A_713 : i32 to vector<16xi32>
      %lt3A_715 = arith.cmpi slt, %gather3A_703, %lt3A_714 : vector<16xi32>
      %gather3A_716 = tpu.vector_load_idx %arg13[%get3A_699] : memref<1664xf32, #tpu.memory_space<vmem>>[vector<16xi32>], vector<16xf32>,
      %add3A_717 = arith.constant 208 : i32
      %add3A_718 = vector.broadcast %add3A_717 : i32 to vector<16xi32>
      %add3A_719 = arith.addi %get3A_699, %add3A_718 : vector<16xi32>
      %gather3A_720 = tpu.vector_load_idx %arg13[%add3A_719] : memref<1664xf32, #tpu.memory_space<vmem>>[vector<16xi32>], vector<16xf32>,
      %add3A_721 = arith.constant 416 : i32
      %add3A_722 = vector.broadcast %add3A_721 : i32 to vector<16xi32>
      %add3A_723 = arith.addi %get3A_699, %add3A_722 : vector<16xi32>
      %gather3A_724 = tpu.vector_load_idx %arg13[%add3A_723] : memref<1664xf32, #tpu.memory_space<vmem>>[vector<16xi32>], vector<16xf32>,
      %add3A_725 = arith.constant 624 : i32
      %add3A_726 = vector.broadcast %add3A_725 : i32 to vector<16xi32>
      %add3A_727 = arith.addi %get3A_699, %add3A_726 : vector<16xi32>
      %gather3A_728 = tpu.vector_load_idx %arg13[%add3A_727] : memref<1664xf32, #tpu.memory_space<vmem>>[vector<16xi32>], vector<16xf32>,
      %add3A_729 = arith.constant 832 : i32
      %add3A_730 = vector.broadcast %add3A_729 : i32 to vector<16xi32>
      %add3A_731 = arith.addi %get3A_699, %add3A_730 : vector<16xi32>
      %gather3A_732 = tpu.vector_load_idx %arg13[%add3A_731] : memref<1664xf32, #tpu.memory_space<vmem>>[vector<16xi32>], vector<16xf32>,
      %add3A_733 = arith.constant 1040 : i32
      %add3A_734 = vector.broadcast %add3A_733 : i32 to vector<16xi32>
      %add3A_735 = arith.addi %get3A_699, %add3A_734 : vector<16xi32>
      %gather3A_736 = tpu.vector_load_idx %arg13[%add3A_735] : memref<1664xf32, #tpu.memory_space<vmem>>[vector<16xi32>], vector<16xf32>,
      tpu.vector_store_idx %arg21[%gather3A_701], %gather3A_716 masked %lt3A_709 {add = true} : memref<144xf32, #tpu.memory_space<vmem>>[vector<16xi32>], vector<16xf32>, vector<16xi1>
      tpu.vector_store_idx %arg21[%gather3A_700], %gather3A_720 masked %lt3A_706 {add = true} : memref<144xf32, #tpu.memory_space<vmem>>[vector<16xi32>], vector<16xf32>, vector<16xi1>
      tpu.vector_store_idx %arg22[%gather3A_703], %gather3A_724 masked %lt3A_715 {add = true} : memref<144xf32, #tpu.memory_space<vmem>>[vector<16xi32>], vector<16xf32>, vector<16xi1>
      tpu.vector_store_idx %arg22[%gather3A_702], %gather3A_728 masked %lt3A_712 {add = true} : memref<144xf32, #tpu.memory_space<vmem>>[vector<16xi32>], vector<16xf32>, vector<16xi1>
      %mul3A_737 = arith.constant 129 : i32
      %mul3A_738 = vector.broadcast %mul3A_737 : i32 to vector<16xi32>
      %mul3A_739 = arith.muli %gather3A_700, %mul3A_738 : vector<16xi32>
      %add3A_740 = arith.addi %mul3A_739, %gather3A_703 : vector<16xi32>
      %and3A_741 = arith.andi %lt3A_706, %lt3A_715 : vector<16xi1>
      tpu.vector_store_idx %arg23[%add3A_740], %gather3A_732 masked %and3A_741 {add = true} : memref<16704xf32, #tpu.memory_space<vmem>>[vector<16xi32>], vector<16xf32>, vector<16xi1>
      %mul3A_742 = arith.constant 129 : i32
      %mul3A_743 = vector.broadcast %mul3A_742 : i32 to vector<16xi32>
      %mul3A_744 = arith.muli %gather3A_701, %mul3A_743 : vector<16xi32>
      %add3A_745 = arith.addi %mul3A_744, %gather3A_702 : vector<16xi32>
      %and3A_746 = arith.andi %lt3A_709, %lt3A_712 : vector<16xi1>
      tpu.vector_store_idx %arg23[%add3A_745], %gather3A_736 masked %and3A_746 {add = true} : memref<16704xf32, #tpu.memory_space<vmem>>[vector<16xi32>], vector<16xf32>, vector<16xi1>
    }
    %jit3A_233 = arith.constant 4 : i32
    %div3A_234 = arith.divsi %select_n3A_5, %jit3A_233 : i32
    %sign3A_235 = arith.constant 0 : i32
    %sign3A_236 = arith.cmpi sgt, %select_n3A_5, %sign3A_235 : i32
    %sign3A_237 = arith.extui %sign3A_236 : i1 to i32
    %sign3A_238 = arith.constant 0 : i32
    %sign3A_239 = arith.cmpi slt, %select_n3A_5, %sign3A_238 : i32
    %sign3A_240 = arith.extui %sign3A_239 : i1 to i32
    %sign3A_241 = arith.subi %sign3A_237, %sign3A_240 : i32
    %sign3A_242 = arith.constant 0 : i32
    %sign3A_243 = arith.cmpi sgt, %jit3A_233, %sign3A_242 : i32
    %sign3A_244 = arith.extui %sign3A_243 : i1 to i32
    %sign3A_245 = arith.constant 0 : i32
    %sign3A_246 = arith.cmpi slt, %jit3A_233, %sign3A_245 : i32
    %sign3A_247 = arith.extui %sign3A_246 : i1 to i32
    %sign3A_248 = arith.subi %sign3A_244, %sign3A_247 : i32
    %ne3A_249 = arith.cmpi ne, %sign3A_241, %sign3A_248 : i32
    %rem3A_250 = arith.remsi %select_n3A_5, %jit3A_233 : i32
    %ne3A_251 = arith.constant 0 : i32
    %ne3A_252 = arith.cmpi ne, %rem3A_250, %ne3A_251 : i32
    %and3A_253 = arith.andi %ne3A_249, %ne3A_252 : i1
    %sub3A_254 = arith.constant 1 : i32
    %sub3A_255 = arith.subi %div3A_234, %sub3A_254 : i32
    %select_n3A_256 = arith.select %and3A_253, %sub3A_255, %div3A_234 : i32
    %mul3A_257 = arith.constant 4 : i32
    %mul3A_258 = arith.muli %select_n3A_256, %mul3A_257 : i32
    %while3A_259 = arith.constant 0 : i32
    %while3A_260 = arith.subi %select_n3A_5, %mul3A_258 : i32
    %while3A_261 = arith.addi %mul3A_258, %while3A_260 : i32
    %while3A_262 = arith.constant 1 : i32
    %while3A_263 = arith.divsi %while3A_260, %while3A_262 : i32
    %while3A_264 = arith.muli %while3A_263, %while3A_262 : i32
    %while3A_265 = arith.addi %mul3A_258, %while3A_264 : i32
    %while3A_266 = arith.constant 1 : i32
    scf.for %while3A_520 = %mul3A_258 to %while3A_265 step %while3A_266  : i32 {
      %mul3A_521 = arith.constant 16 : i32
      %mul3A_522 = arith.muli %while3A_520, %mul3A_521 : i32
      %get3A_523 = arith.index_cast %mul3A_522 : i32 to index
      %get3A_524 = tpu.vector_load %arg14[%get3A_523] {strides = array<i32>} : memref<1568xi32, #tpu.memory_space<vmem>>, vector<16xi32>,
      %get3A_525 = arith.index_cast %mul3A_522 : i32 to index
      %get3A_526 = tpu.vector_load %arg15[%get3A_525] {strides = array<i32>} : memref<1568xi32, #tpu.memory_space<vmem>>, vector<16xi32>,
      %get3A_527 = arith.index_cast %mul3A_522 : i32 to index
      %get3A_528 = tpu.vector_load %arg16[%get3A_527] {strides = array<i32>} : memref<1568xi32, #tpu.memory_space<vmem>>, vector<16xi32>,
      %gather3A_529 = tpu.vector_load_idx %arg11[%get3A_524] : memref<10016xi32, #tpu.memory_space<vmem>>[vector<16xi32>], vector<16xi32>,
      %gather3A_530 = tpu.vector_load_idx %arg11[%get3A_526] : memref<10016xi32, #tpu.memory_space<vmem>>[vector<16xi32>], vector<16xi32>,
      %gather3A_531 = tpu.vector_load_idx %arg12[%get3A_524] : memref<10016xi32, #tpu.memory_space<vmem>>[vector<16xi32>], vector<16xi32>,
      %gather3A_532 = tpu.vector_load_idx %arg12[%get3A_526] : memref<10016xi32, #tpu.memory_space<vmem>>[vector<16xi32>], vector<16xi32>,
      %lt3A_533 = arith.constant 128 : i32
      %lt3A_534 = vector.broadcast %lt3A_533 : i32 to vector<16xi32>
      %lt3A_535 = arith.cmpi slt, %gather3A_529, %lt3A_534 : vector<16xi32>
      %lt3A_536 = arith.constant 128 : i32
      %lt3A_537 = vector.broadcast %lt3A_536 : i32 to vector<16xi32>
      %lt3A_538 = arith.cmpi slt, %gather3A_530, %lt3A_537 : vector<16xi32>
      %lt3A_539 = arith.constant 128 : i32
      %lt3A_540 = vector.broadcast %lt3A_539 : i32 to vector<16xi32>
      %lt3A_541 = arith.cmpi slt, %gather3A_531, %lt3A_540 : vector<16xi32>
      %lt3A_542 = arith.constant 128 : i32
      %lt3A_543 = vector.broadcast %lt3A_542 : i32 to vector<16xi32>
      %lt3A_544 = arith.cmpi slt, %gather3A_532, %lt3A_543 : vector<16xi32>
      %gather3A_545 = tpu.vector_load_idx %arg13[%get3A_528] : memref<1664xf32, #tpu.memory_space<vmem>>[vector<16xi32>], vector<16xf32>,
      %add3A_546 = arith.constant 208 : i32
      %add3A_547 = vector.broadcast %add3A_546 : i32 to vector<16xi32>
      %add3A_548 = arith.addi %get3A_528, %add3A_547 : vector<16xi32>
      %gather3A_549 = tpu.vector_load_idx %arg13[%add3A_548] : memref<1664xf32, #tpu.memory_space<vmem>>[vector<16xi32>], vector<16xf32>,
      %add3A_550 = arith.constant 416 : i32
      %add3A_551 = vector.broadcast %add3A_550 : i32 to vector<16xi32>
      %add3A_552 = arith.addi %get3A_528, %add3A_551 : vector<16xi32>
      %gather3A_553 = tpu.vector_load_idx %arg13[%add3A_552] : memref<1664xf32, #tpu.memory_space<vmem>>[vector<16xi32>], vector<16xf32>,
      %add3A_554 = arith.constant 624 : i32
      %add3A_555 = vector.broadcast %add3A_554 : i32 to vector<16xi32>
      %add3A_556 = arith.addi %get3A_528, %add3A_555 : vector<16xi32>
      %gather3A_557 = tpu.vector_load_idx %arg13[%add3A_556] : memref<1664xf32, #tpu.memory_space<vmem>>[vector<16xi32>], vector<16xf32>,
      %add3A_558 = arith.constant 832 : i32
      %add3A_559 = vector.broadcast %add3A_558 : i32 to vector<16xi32>
      %add3A_560 = arith.addi %get3A_528, %add3A_559 : vector<16xi32>
      %gather3A_561 = tpu.vector_load_idx %arg13[%add3A_560] : memref<1664xf32, #tpu.memory_space<vmem>>[vector<16xi32>], vector<16xf32>,
      %add3A_562 = arith.constant 1040 : i32
      %add3A_563 = vector.broadcast %add3A_562 : i32 to vector<16xi32>
      %add3A_564 = arith.addi %get3A_528, %add3A_563 : vector<16xi32>
      %gather3A_565 = tpu.vector_load_idx %arg13[%add3A_564] : memref<1664xf32, #tpu.memory_space<vmem>>[vector<16xi32>], vector<16xf32>,
      tpu.vector_store_idx %arg21[%gather3A_530], %gather3A_545 masked %lt3A_538 {add = true} : memref<144xf32, #tpu.memory_space<vmem>>[vector<16xi32>], vector<16xf32>, vector<16xi1>
      tpu.vector_store_idx %arg21[%gather3A_529], %gather3A_549 masked %lt3A_535 {add = true} : memref<144xf32, #tpu.memory_space<vmem>>[vector<16xi32>], vector<16xf32>, vector<16xi1>
      tpu.vector_store_idx %arg22[%gather3A_532], %gather3A_553 masked %lt3A_544 {add = true} : memref<144xf32, #tpu.memory_space<vmem>>[vector<16xi32>], vector<16xf32>, vector<16xi1>
      tpu.vector_store_idx %arg22[%gather3A_531], %gather3A_557 masked %lt3A_541 {add = true} : memref<144xf32, #tpu.memory_space<vmem>>[vector<16xi32>], vector<16xf32>, vector<16xi1>
      %mul3A_566 = arith.constant 129 : i32
      %mul3A_567 = vector.broadcast %mul3A_566 : i32 to vector<16xi32>
      %mul3A_568 = arith.muli %gather3A_529, %mul3A_567 : vector<16xi32>
      %add3A_569 = arith.addi %mul3A_568, %gather3A_532 : vector<16xi32>
      %and3A_570 = arith.andi %lt3A_535, %lt3A_544 : vector<16xi1>
      tpu.vector_store_idx %arg23[%add3A_569], %gather3A_561 masked %and3A_570 {add = true} : memref<16704xf32, #tpu.memory_space<vmem>>[vector<16xi32>], vector<16xf32>, vector<16xi1>
      %mul3A_571 = arith.constant 129 : i32
      %mul3A_572 = vector.broadcast %mul3A_571 : i32 to vector<16xi32>
      %mul3A_573 = arith.muli %gather3A_530, %mul3A_572 : vector<16xi32>
      %add3A_574 = arith.addi %mul3A_573, %gather3A_531 : vector<16xi32>
      %and3A_575 = arith.andi %lt3A_538, %lt3A_541 : vector<16xi1>
      tpu.vector_store_idx %arg23[%add3A_574], %gather3A_565 masked %and3A_575 {add = true} : memref<16704xf32, #tpu.memory_space<vmem>>[vector<16xi32>], vector<16xf32>, vector<16xi1>
    }
    %while3A_267 = arith.constant 1 : i32
    scf.for %while3A_520 = %while3A_265 to %while3A_261 step %while3A_267  : i32 {
      %mul3A_521 = arith.constant 16 : i32
      %mul3A_522 = arith.muli %while3A_520, %mul3A_521 : i32
      %get3A_523 = arith.index_cast %mul3A_522 : i32 to index
      %get3A_524 = tpu.vector_load %arg14[%get3A_523] {strides = array<i32>} : memref<1568xi32, #tpu.memory_space<vmem>>, vector<16xi32>,
      %get3A_525 = arith.index_cast %mul3A_522 : i32 to index
      %get3A_526 = tpu.vector_load %arg15[%get3A_525] {strides = array<i32>} : memref<1568xi32, #tpu.memory_space<vmem>>, vector<16xi32>,
      %get3A_527 = arith.index_cast %mul3A_522 : i32 to index
      %get3A_528 = tpu.vector_load %arg16[%get3A_527] {strides = array<i32>} : memref<1568xi32, #tpu.memory_space<vmem>>, vector<16xi32>,
      %gather3A_529 = tpu.vector_load_idx %arg11[%get3A_524] : memref<10016xi32, #tpu.memory_space<vmem>>[vector<16xi32>], vector<16xi32>,
      %gather3A_530 = tpu.vector_load_idx %arg11[%get3A_526] : memref<10016xi32, #tpu.memory_space<vmem>>[vector<16xi32>], vector<16xi32>,
      %gather3A_531 = tpu.vector_load_idx %arg12[%get3A_524] : memref<10016xi32, #tpu.memory_space<vmem>>[vector<16xi32>], vector<16xi32>,
      %gather3A_532 = tpu.vector_load_idx %arg12[%get3A_526] : memref<10016xi32, #tpu.memory_space<vmem>>[vector<16xi32>], vector<16xi32>,
      %lt3A_533 = arith.constant 128 : i32
      %lt3A_534 = vector.broadcast %lt3A_533 : i32 to vector<16xi32>
      %lt3A_535 = arith.cmpi slt, %gather3A_529, %lt3A_534 : vector<16xi32>
      %lt3A_536 = arith.constant 128 : i32
      %lt3A_537 = vector.broadcast %lt3A_536 : i32 to vector<16xi32>
      %lt3A_538 = arith.cmpi slt, %gather3A_530, %lt3A_537 : vector<16xi32>
      %lt3A_539 = arith.constant 128 : i32
      %lt3A_540 = vector.broadcast %lt3A_539 : i32 to vector<16xi32>
      %lt3A_541 = arith.cmpi slt, %gather3A_531, %lt3A_540 : vector<16xi32>
      %lt3A_542 = arith.constant 128 : i32
      %lt3A_543 = vector.broadcast %lt3A_542 : i32 to vector<16xi32>
      %lt3A_544 = arith.cmpi slt, %gather3A_532, %lt3A_543 : vector<16xi32>
      %gather3A_545 = tpu.vector_load_idx %arg13[%get3A_528] : memref<1664xf32, #tpu.memory_space<vmem>>[vector<16xi32>], vector<16xf32>,
      %add3A_546 = arith.constant 208 : i32
      %add3A_547 = vector.broadcast %add3A_546 : i32 to vector<16xi32>
      %add3A_548 = arith.addi %get3A_528, %add3A_547 : vector<16xi32>
      %gather3A_549 = tpu.vector_load_idx %arg13[%add3A_548] : memref<1664xf32, #tpu.memory_space<vmem>>[vector<16xi32>], vector<16xf32>,
      %add3A_550 = arith.constant 416 : i32
      %add3A_551 = vector.broadcast %add3A_550 : i32 to vector<16xi32>
      %add3A_552 = arith.addi %get3A_528, %add3A_551 : vector<16xi32>
      %gather3A_553 = tpu.vector_load_idx %arg13[%add3A_552] : memref<1664xf32, #tpu.memory_space<vmem>>[vector<16xi32>], vector<16xf32>,
      %add3A_554 = arith.constant 624 : i32
      %add3A_555 = vector.broadcast %add3A_554 : i32 to vector<16xi32>
      %add3A_556 = arith.addi %get3A_528, %add3A_555 : vector<16xi32>
      %gather3A_557 = tpu.vector_load_idx %arg13[%add3A_556] : memref<1664xf32, #tpu.memory_space<vmem>>[vector<16xi32>], vector<16xf32>,
      %add3A_558 = arith.constant 832 : i32
      %add3A_559 = vector.broadcast %add3A_558 : i32 to vector<16xi32>
      %add3A_560 = arith.addi %get3A_528, %add3A_559 : vector<16xi32>
      %gather3A_561 = tpu.vector_load_idx %arg13[%add3A_560] : memref<1664xf32, #tpu.memory_space<vmem>>[vector<16xi32>], vector<16xf32>,
      %add3A_562 = arith.constant 1040 : i32
      %add3A_563 = vector.broadcast %add3A_562 : i32 to vector<16xi32>
      %add3A_564 = arith.addi %get3A_528, %add3A_563 : vector<16xi32>
      %gather3A_565 = tpu.vector_load_idx %arg13[%add3A_564] : memref<1664xf32, #tpu.memory_space<vmem>>[vector<16xi32>], vector<16xf32>,
      tpu.vector_store_idx %arg21[%gather3A_530], %gather3A_545 masked %lt3A_538 {add = true} : memref<144xf32, #tpu.memory_space<vmem>>[vector<16xi32>], vector<16xf32>, vector<16xi1>
      tpu.vector_store_idx %arg21[%gather3A_529], %gather3A_549 masked %lt3A_535 {add = true} : memref<144xf32, #tpu.memory_space<vmem>>[vector<16xi32>], vector<16xf32>, vector<16xi1>
      tpu.vector_store_idx %arg22[%gather3A_532], %gather3A_553 masked %lt3A_544 {add = true} : memref<144xf32, #tpu.memory_space<vmem>>[vector<16xi32>], vector<16xf32>, vector<16xi1>
      tpu.vector_store_idx %arg22[%gather3A_531], %gather3A_557 masked %lt3A_541 {add = true} : memref<144xf32, #tpu.memory_space<vmem>>[vector<16xi32>], vector<16xf32>, vector<16xi1>
      %mul3A_566 = arith.constant 129 : i32
      %mul3A_567 = vector.broadcast %mul3A_566 : i32 to vector<16xi32>
      %mul3A_568 = arith.muli %gather3A_529, %mul3A_567 : vector<16xi32>
      %add3A_569 = arith.addi %mul3A_568, %gather3A_532 : vector<16xi32>
      %and3A_570 = arith.andi %lt3A_535, %lt3A_544 : vector<16xi1>
      tpu.vector_store_idx %arg23[%add3A_569], %gather3A_561 masked %and3A_570 {add = true} : memref<16704xf32, #tpu.memory_space<vmem>>[vector<16xi32>], vector<16xf32>, vector<16xi1>
      %mul3A_571 = arith.constant 129 : i32
      %mul3A_572 = vector.broadcast %mul3A_571 : i32 to vector<16xi32>
      %mul3A_573 = arith.muli %gather3A_530, %mul3A_572 : vector<16xi32>
      %add3A_574 = arith.addi %mul3A_573, %gather3A_531 : vector<16xi32>
      %and3A_575 = arith.andi %lt3A_538, %lt3A_541 : vector<16xi1>
      tpu.vector_store_idx %arg23[%add3A_574], %gather3A_565 masked %and3A_575 {add = true} : memref<16704xf32, #tpu.memory_space<vmem>>[vector<16xi32>], vector<16xf32>, vector<16xi1>
    }
    %eq3A_268 = arith.constant 0 : i32
    %eq3A_269 = arith.cmpi eq, %add3A, %eq3A_268 : i32
    %convert_element_type3A_270 = arith.extui %eq3A_269 : i1 to i32
    %convert_element_type3A_271 = arith.sitofp %convert_element_type3A_270 : i32 to f32
    %get3A_272 = arith.constant 0 : index
    %get3A_273 = tpu.vector_load %arg17[%get3A_272] {strides = array<i32>} : memref<128xi32, #tpu.memory_space<vmem>>, vector<16xi32>,
    %get3A_274 = arith.constant 0 : index
    %get3A_275 = tpu.vector_load %arg18[%get3A_274] {strides = array<i32>} : memref<128xi32, #tpu.memory_space<vmem>>, vector<16xi32>,
    %get3A_276 = arith.constant 0 : index
    %get3A_277 = tpu.vector_load %arg19[%get3A_276] {strides = array<i32>} : memref<128xi32, #tpu.memory_space<vmem>>, vector<16xi32>,
    %gather3A_278 = tpu.vector_load_idx %arg11[%get3A_273] : memref<10016xi32, #tpu.memory_space<vmem>>[vector<16xi32>], vector<16xi32>,
    %gather3A_279 = tpu.vector_load_idx %arg12[%get3A_275] : memref<10016xi32, #tpu.memory_space<vmem>>[vector<16xi32>], vector<16xi32>,
    %gather3A_280 = tpu.vector_load_idx %arg21[%gather3A_278] : memref<144xf32, #tpu.memory_space<vmem>>[vector<16xi32>], vector<16xf32>,
    %gather3A_281 = tpu.vector_load_idx %arg22[%gather3A_279] : memref<144xf32, #tpu.memory_space<vmem>>[vector<16xi32>], vector<16xf32>,
    %mul3A_282 = arith.constant 129 : i32
    %mul3A_283 = vector.broadcast %mul3A_282 : i32 to vector<16xi32>
    %mul3A_284 = arith.muli %gather3A_278, %mul3A_283 : vector<16xi32>
    %add3A_285 = arith.addi %mul3A_284, %gather3A_279 : vector<16xi32>
    %gather3A_286 = tpu.vector_load_idx %arg23[%add3A_285] : memref<16704xf32, #tpu.memory_space<vmem>>[vector<16xi32>], vector<16xf32>,
    %add3A_287 = arith.constant 1248 : i32
    %add3A_288 = vector.broadcast %add3A_287 : i32 to vector<16xi32>
    %add3A_289 = arith.addi %get3A_277, %add3A_288 : vector<16xi32>
    %gather3A_290 = tpu.vector_load_idx %arg13[%add3A_289] : memref<1664xf32, #tpu.memory_space<vmem>>[vector<16xi32>], vector<16xf32>,
    %mul3A_291 = arith.constant 0 : i32
    %mul3A_292 = vector.broadcast %mul3A_291 : i32 to vector<16xi32>
    %mul3A_293 = arith.muli %iota3A, %mul3A_292 : vector<16xi32>
    %gather3A_294 = tpu.vector_load_idx %arg20[%mul3A_293] : memref<1xf32, #tpu.memory_space<vmem>>[vector<16xi32>], vector<16xf32>,
    %add3A_295 = arith.addf %gather3A_280, %gather3A_281 : vector<16xf32>
    %add3A_296 = arith.addf %add3A_295, %gather3A_286 : vector<16xf32>
    %add3A_297 = arith.addf %gather3A_290, %gather3A_294 : vector<16xf32>
    %mul3A_298 = vector.broadcast %convert_element_type3A_271 : f32 to vector<16xf32>
    %mul3A_299 = arith.mulf %add3A_297, %mul3A_298 : vector<16xf32>
    %add3A_300 = arith.addf %add3A_296, %mul3A_299 : vector<16xf32>
    %swap3A_301 = arith.constant 0 : index
    %swap3A_302 = tpu.vector_load %arg24[%swap3A_301] {strides = array<i32>} : memref<128xf32, #tpu.memory_space<vmem>>, vector<16xf32>,
    tpu.vector_store %arg24[%swap3A_301], %add3A_300 {strides = array<i32>} : memref<128xf32, #tpu.memory_space<vmem>>, vector<16xf32>,
    %get3A_303 = arith.constant 16 : index
    %get3A_304 = tpu.vector_load %arg17[%get3A_303] {strides = array<i32>} : memref<128xi32, #tpu.memory_space<vmem>>, vector<16xi32>,
    %get3A_305 = arith.constant 16 : index
    %get3A_306 = tpu.vector_load %arg18[%get3A_305] {strides = array<i32>} : memref<128xi32, #tpu.memory_space<vmem>>, vector<16xi32>,
    %get3A_307 = arith.constant 16 : index
    %get3A_308 = tpu.vector_load %arg19[%get3A_307] {strides = array<i32>} : memref<128xi32, #tpu.memory_space<vmem>>, vector<16xi32>,
    %gather3A_309 = tpu.vector_load_idx %arg11[%get3A_304] : memref<10016xi32, #tpu.memory_space<vmem>>[vector<16xi32>], vector<16xi32>,
    %gather3A_310 = tpu.vector_load_idx %arg12[%get3A_306] : memref<10016xi32, #tpu.memory_space<vmem>>[vector<16xi32>], vector<16xi32>,
    %gather3A_311 = tpu.vector_load_idx %arg21[%gather3A_309] : memref<144xf32, #tpu.memory_space<vmem>>[vector<16xi32>], vector<16xf32>,
    %gather3A_312 = tpu.vector_load_idx %arg22[%gather3A_310] : memref<144xf32, #tpu.memory_space<vmem>>[vector<16xi32>], vector<16xf32>,
    %mul3A_313 = arith.constant 129 : i32
    %mul3A_314 = vector.broadcast %mul3A_313 : i32 to vector<16xi32>
    %mul3A_315 = arith.muli %gather3A_309, %mul3A_314 : vector<16xi32>
    %add3A_316 = arith.addi %mul3A_315, %gather3A_310 : vector<16xi32>
    %gather3A_317 = tpu.vector_load_idx %arg23[%add3A_316] : memref<16704xf32, #tpu.memory_space<vmem>>[vector<16xi32>], vector<16xf32>,
    %add3A_318 = arith.constant 1248 : i32
    %add3A_319 = vector.broadcast %add3A_318 : i32 to vector<16xi32>
    %add3A_320 = arith.addi %get3A_308, %add3A_319 : vector<16xi32>
    %gather3A_321 = tpu.vector_load_idx %arg13[%add3A_320] : memref<1664xf32, #tpu.memory_space<vmem>>[vector<16xi32>], vector<16xf32>,
    %mul3A_322 = arith.constant 0 : i32
    %mul3A_323 = vector.broadcast %mul3A_322 : i32 to vector<16xi32>
    %mul3A_324 = arith.muli %iota3A, %mul3A_323 : vector<16xi32>
    %gather3A_325 = tpu.vector_load_idx %arg20[%mul3A_324] : memref<1xf32, #tpu.memory_space<vmem>>[vector<16xi32>], vector<16xf32>,
    %add3A_326 = arith.addf %gather3A_311, %gather3A_312 : vector<16xf32>
    %add3A_327 = arith.addf %add3A_326, %gather3A_317 : vector<16xf32>
    %add3A_328 = arith.addf %gather3A_321, %gather3A_325 : vector<16xf32>
    %mul3A_329 = vector.broadcast %convert_element_type3A_271 : f32 to vector<16xf32>
    %mul3A_330 = arith.mulf %add3A_328, %mul3A_329 : vector<16xf32>
    %add3A_331 = arith.addf %add3A_327, %mul3A_330 : vector<16xf32>
    %swap3A_332 = arith.constant 16 : index
    %swap3A_333 = tpu.vector_load %arg24[%swap3A_332] {strides = array<i32>} : memref<128xf32, #tpu.memory_space<vmem>>, vector<16xf32>,
    tpu.vector_store %arg24[%swap3A_332], %add3A_331 {strides = array<i32>} : memref<128xf32, #tpu.memory_space<vmem>>, vector<16xf32>,
    %get3A_334 = arith.constant 32 : index
    %get3A_335 = tpu.vector_load %arg17[%get3A_334] {strides = array<i32>} : memref<128xi32, #tpu.memory_space<vmem>>, vector<16xi32>,
    %get3A_336 = arith.constant 32 : index
    %get3A_337 = tpu.vector_load %arg18[%get3A_336] {strides = array<i32>} : memref<128xi32, #tpu.memory_space<vmem>>, vector<16xi32>,
    %get3A_338 = arith.constant 32 : index
    %get3A_339 = tpu.vector_load %arg19[%get3A_338] {strides = array<i32>} : memref<128xi32, #tpu.memory_space<vmem>>, vector<16xi32>,
    %gather3A_340 = tpu.vector_load_idx %arg11[%get3A_335] : memref<10016xi32, #tpu.memory_space<vmem>>[vector<16xi32>], vector<16xi32>,
    %gather3A_341 = tpu.vector_load_idx %arg12[%get3A_337] : memref<10016xi32, #tpu.memory_space<vmem>>[vector<16xi32>], vector<16xi32>,
    %gather3A_342 = tpu.vector_load_idx %arg21[%gather3A_340] : memref<144xf32, #tpu.memory_space<vmem>>[vector<16xi32>], vector<16xf32>,
    %gather3A_343 = tpu.vector_load_idx %arg22[%gather3A_341] : memref<144xf32, #tpu.memory_space<vmem>>[vector<16xi32>], vector<16xf32>,
    %mul3A_344 = arith.constant 129 : i32
    %mul3A_345 = vector.broadcast %mul3A_344 : i32 to vector<16xi32>
    %mul3A_346 = arith.muli %gather3A_340, %mul3A_345 : vector<16xi32>
    %add3A_347 = arith.addi %mul3A_346, %gather3A_341 : vector<16xi32>
    %gather3A_348 = tpu.vector_load_idx %arg23[%add3A_347] : memref<16704xf32, #tpu.memory_space<vmem>>[vector<16xi32>], vector<16xf32>,
    %add3A_349 = arith.constant 1248 : i32
    %add3A_350 = vector.broadcast %add3A_349 : i32 to vector<16xi32>
    %add3A_351 = arith.addi %get3A_339, %add3A_350 : vector<16xi32>
    %gather3A_352 = tpu.vector_load_idx %arg13[%add3A_351] : memref<1664xf32, #tpu.memory_space<vmem>>[vector<16xi32>], vector<16xf32>,
    %mul3A_353 = arith.constant 0 : i32
    %mul3A_354 = vector.broadcast %mul3A_353 : i32 to vector<16xi32>
    %mul3A_355 = arith.muli %iota3A, %mul3A_354 : vector<16xi32>
    %gather3A_356 = tpu.vector_load_idx %arg20[%mul3A_355] : memref<1xf32, #tpu.memory_space<vmem>>[vector<16xi32>], vector<16xf32>,
    %add3A_357 = arith.addf %gather3A_342, %gather3A_343 : vector<16xf32>
    %add3A_358 = arith.addf %add3A_357, %gather3A_348 : vector<16xf32>
    %add3A_359 = arith.addf %gather3A_352, %gather3A_356 : vector<16xf32>
    %mul3A_360 = vector.broadcast %convert_element_type3A_271 : f32 to vector<16xf32>
    %mul3A_361 = arith.mulf %add3A_359, %mul3A_360 : vector<16xf32>
    %add3A_362 = arith.addf %add3A_358, %mul3A_361 : vector<16xf32>
    %swap3A_363 = arith.constant 32 : index
    %swap3A_364 = tpu.vector_load %arg24[%swap3A_363] {strides = array<i32>} : memref<128xf32, #tpu.memory_space<vmem>>, vector<16xf32>,
    tpu.vector_store %arg24[%swap3A_363], %add3A_362 {strides = array<i32>} : memref<128xf32, #tpu.memory_space<vmem>>, vector<16xf32>,
    %get3A_365 = arith.constant 48 : index
    %get3A_366 = tpu.vector_load %arg17[%get3A_365] {strides = array<i32>} : memref<128xi32, #tpu.memory_space<vmem>>, vector<16xi32>,
    %get3A_367 = arith.constant 48 : index
    %get3A_368 = tpu.vector_load %arg18[%get3A_367] {strides = array<i32>} : memref<128xi32, #tpu.memory_space<vmem>>, vector<16xi32>,
    %get3A_369 = arith.constant 48 : index
    %get3A_370 = tpu.vector_load %arg19[%get3A_369] {strides = array<i32>} : memref<128xi32, #tpu.memory_space<vmem>>, vector<16xi32>,
    %gather3A_371 = tpu.vector_load_idx %arg11[%get3A_366] : memref<10016xi32, #tpu.memory_space<vmem>>[vector<16xi32>], vector<16xi32>,
    %gather3A_372 = tpu.vector_load_idx %arg12[%get3A_368] : memref<10016xi32, #tpu.memory_space<vmem>>[vector<16xi32>], vector<16xi32>,
    %gather3A_373 = tpu.vector_load_idx %arg21[%gather3A_371] : memref<144xf32, #tpu.memory_space<vmem>>[vector<16xi32>], vector<16xf32>,
    %gather3A_374 = tpu.vector_load_idx %arg22[%gather3A_372] : memref<144xf32, #tpu.memory_space<vmem>>[vector<16xi32>], vector<16xf32>,
    %mul3A_375 = arith.constant 129 : i32
    %mul3A_376 = vector.broadcast %mul3A_375 : i32 to vector<16xi32>
    %mul3A_377 = arith.muli %gather3A_371, %mul3A_376 : vector<16xi32>
    %add3A_378 = arith.addi %mul3A_377, %gather3A_372 : vector<16xi32>
    %gather3A_379 = tpu.vector_load_idx %arg23[%add3A_378] : memref<16704xf32, #tpu.memory_space<vmem>>[vector<16xi32>], vector<16xf32>,
    %add3A_380 = arith.constant 1248 : i32
    %add3A_381 = vector.broadcast %add3A_380 : i32 to vector<16xi32>
    %add3A_382 = arith.addi %get3A_370, %add3A_381 : vector<16xi32>
    %gather3A_383 = tpu.vector_load_idx %arg13[%add3A_382] : memref<1664xf32, #tpu.memory_space<vmem>>[vector<16xi32>], vector<16xf32>,
    %mul3A_384 = arith.constant 0 : i32
    %mul3A_385 = vector.broadcast %mul3A_384 : i32 to vector<16xi32>
    %mul3A_386 = arith.muli %iota3A, %mul3A_385 : vector<16xi32>
    %gather3A_387 = tpu.vector_load_idx %arg20[%mul3A_386] : memref<1xf32, #tpu.memory_space<vmem>>[vector<16xi32>], vector<16xf32>,
    %add3A_388 = arith.addf %gather3A_373, %gather3A_374 : vector<16xf32>
    %add3A_389 = arith.addf %add3A_388, %gather3A_379 : vector<16xf32>
    %add3A_390 = arith.addf %gather3A_383, %gather3A_387 : vector<16xf32>
    %mul3A_391 = vector.broadcast %convert_element_type3A_271 : f32 to vector<16xf32>
    %mul3A_392 = arith.mulf %add3A_390, %mul3A_391 : vector<16xf32>
    %add3A_393 = arith.addf %add3A_389, %mul3A_392 : vector<16xf32>
    %swap3A_394 = arith.constant 48 : index
    %swap3A_395 = tpu.vector_load %arg24[%swap3A_394] {strides = array<i32>} : memref<128xf32, #tpu.memory_space<vmem>>, vector<16xf32>,
    tpu.vector_store %arg24[%swap3A_394], %add3A_393 {strides = array<i32>} : memref<128xf32, #tpu.memory_space<vmem>>, vector<16xf32>,
    %get3A_396 = arith.constant 64 : index
    %get3A_397 = tpu.vector_load %arg17[%get3A_396] {strides = array<i32>} : memref<128xi32, #tpu.memory_space<vmem>>, vector<16xi32>,
    %get3A_398 = arith.constant 64 : index
    %get3A_399 = tpu.vector_load %arg18[%get3A_398] {strides = array<i32>} : memref<128xi32, #tpu.memory_space<vmem>>, vector<16xi32>,
    %get3A_400 = arith.constant 64 : index
    %get3A_401 = tpu.vector_load %arg19[%get3A_400] {strides = array<i32>} : memref<128xi32, #tpu.memory_space<vmem>>, vector<16xi32>,
    %gather3A_402 = tpu.vector_load_idx %arg11[%get3A_397] : memref<10016xi32, #tpu.memory_space<vmem>>[vector<16xi32>], vector<16xi32>,
    %gather3A_403 = tpu.vector_load_idx %arg12[%get3A_399] : memref<10016xi32, #tpu.memory_space<vmem>>[vector<16xi32>], vector<16xi32>,
    %gather3A_404 = tpu.vector_load_idx %arg21[%gather3A_402] : memref<144xf32, #tpu.memory_space<vmem>>[vector<16xi32>], vector<16xf32>,
    %gather3A_405 = tpu.vector_load_idx %arg22[%gather3A_403] : memref<144xf32, #tpu.memory_space<vmem>>[vector<16xi32>], vector<16xf32>,
    %mul3A_406 = arith.constant 129 : i32
    %mul3A_407 = vector.broadcast %mul3A_406 : i32 to vector<16xi32>
    %mul3A_408 = arith.muli %gather3A_402, %mul3A_407 : vector<16xi32>
    %add3A_409 = arith.addi %mul3A_408, %gather3A_403 : vector<16xi32>
    %gather3A_410 = tpu.vector_load_idx %arg23[%add3A_409] : memref<16704xf32, #tpu.memory_space<vmem>>[vector<16xi32>], vector<16xf32>,
    %add3A_411 = arith.constant 1248 : i32
    %add3A_412 = vector.broadcast %add3A_411 : i32 to vector<16xi32>
    %add3A_413 = arith.addi %get3A_401, %add3A_412 : vector<16xi32>
    %gather3A_414 = tpu.vector_load_idx %arg13[%add3A_413] : memref<1664xf32, #tpu.memory_space<vmem>>[vector<16xi32>], vector<16xf32>,
    %mul3A_415 = arith.constant 0 : i32
    %mul3A_416 = vector.broadcast %mul3A_415 : i32 to vector<16xi32>
    %mul3A_417 = arith.muli %iota3A, %mul3A_416 : vector<16xi32>
    %gather3A_418 = tpu.vector_load_idx %arg20[%mul3A_417] : memref<1xf32, #tpu.memory_space<vmem>>[vector<16xi32>], vector<16xf32>,
    %add3A_419 = arith.addf %gather3A_404, %gather3A_405 : vector<16xf32>
    %add3A_420 = arith.addf %add3A_419, %gather3A_410 : vector<16xf32>
    %add3A_421 = arith.addf %gather3A_414, %gather3A_418 : vector<16xf32>
    %mul3A_422 = vector.broadcast %convert_element_type3A_271 : f32 to vector<16xf32>
    %mul3A_423 = arith.mulf %add3A_421, %mul3A_422 : vector<16xf32>
    %add3A_424 = arith.addf %add3A_420, %mul3A_423 : vector<16xf32>
    %swap3A_425 = arith.constant 64 : index
    %swap3A_426 = tpu.vector_load %arg24[%swap3A_425] {strides = array<i32>} : memref<128xf32, #tpu.memory_space<vmem>>, vector<16xf32>,
    tpu.vector_store %arg24[%swap3A_425], %add3A_424 {strides = array<i32>} : memref<128xf32, #tpu.memory_space<vmem>>, vector<16xf32>,
    %get3A_427 = arith.constant 80 : index
    %get3A_428 = tpu.vector_load %arg17[%get3A_427] {strides = array<i32>} : memref<128xi32, #tpu.memory_space<vmem>>, vector<16xi32>,
    %get3A_429 = arith.constant 80 : index
    %get3A_430 = tpu.vector_load %arg18[%get3A_429] {strides = array<i32>} : memref<128xi32, #tpu.memory_space<vmem>>, vector<16xi32>,
    %get3A_431 = arith.constant 80 : index
    %get3A_432 = tpu.vector_load %arg19[%get3A_431] {strides = array<i32>} : memref<128xi32, #tpu.memory_space<vmem>>, vector<16xi32>,
    %gather3A_433 = tpu.vector_load_idx %arg11[%get3A_428] : memref<10016xi32, #tpu.memory_space<vmem>>[vector<16xi32>], vector<16xi32>,
    %gather3A_434 = tpu.vector_load_idx %arg12[%get3A_430] : memref<10016xi32, #tpu.memory_space<vmem>>[vector<16xi32>], vector<16xi32>,
    %gather3A_435 = tpu.vector_load_idx %arg21[%gather3A_433] : memref<144xf32, #tpu.memory_space<vmem>>[vector<16xi32>], vector<16xf32>,
    %gather3A_436 = tpu.vector_load_idx %arg22[%gather3A_434] : memref<144xf32, #tpu.memory_space<vmem>>[vector<16xi32>], vector<16xf32>,
    %mul3A_437 = arith.constant 129 : i32
    %mul3A_438 = vector.broadcast %mul3A_437 : i32 to vector<16xi32>
    %mul3A_439 = arith.muli %gather3A_433, %mul3A_438 : vector<16xi32>
    %add3A_440 = arith.addi %mul3A_439, %gather3A_434 : vector<16xi32>
    %gather3A_441 = tpu.vector_load_idx %arg23[%add3A_440] : memref<16704xf32, #tpu.memory_space<vmem>>[vector<16xi32>], vector<16xf32>,
    %add3A_442 = arith.constant 1248 : i32
    %add3A_443 = vector.broadcast %add3A_442 : i32 to vector<16xi32>
    %add3A_444 = arith.addi %get3A_432, %add3A_443 : vector<16xi32>
    %gather3A_445 = tpu.vector_load_idx %arg13[%add3A_444] : memref<1664xf32, #tpu.memory_space<vmem>>[vector<16xi32>], vector<16xf32>,
    %mul3A_446 = arith.constant 0 : i32
    %mul3A_447 = vector.broadcast %mul3A_446 : i32 to vector<16xi32>
    %mul3A_448 = arith.muli %iota3A, %mul3A_447 : vector<16xi32>
    %gather3A_449 = tpu.vector_load_idx %arg20[%mul3A_448] : memref<1xf32, #tpu.memory_space<vmem>>[vector<16xi32>], vector<16xf32>,
    %add3A_450 = arith.addf %gather3A_435, %gather3A_436 : vector<16xf32>
    %add3A_451 = arith.addf %add3A_450, %gather3A_441 : vector<16xf32>
    %add3A_452 = arith.addf %gather3A_445, %gather3A_449 : vector<16xf32>
    %mul3A_453 = vector.broadcast %convert_element_type3A_271 : f32 to vector<16xf32>
    %mul3A_454 = arith.mulf %add3A_452, %mul3A_453 : vector<16xf32>
    %add3A_455 = arith.addf %add3A_451, %mul3A_454 : vector<16xf32>
    %swap3A_456 = arith.constant 80 : index
    %swap3A_457 = tpu.vector_load %arg24[%swap3A_456] {strides = array<i32>} : memref<128xf32, #tpu.memory_space<vmem>>, vector<16xf32>,
    tpu.vector_store %arg24[%swap3A_456], %add3A_455 {strides = array<i32>} : memref<128xf32, #tpu.memory_space<vmem>>, vector<16xf32>,
    %get3A_458 = arith.constant 96 : index
    %get3A_459 = tpu.vector_load %arg17[%get3A_458] {strides = array<i32>} : memref<128xi32, #tpu.memory_space<vmem>>, vector<16xi32>,
    %get3A_460 = arith.constant 96 : index
    %get3A_461 = tpu.vector_load %arg18[%get3A_460] {strides = array<i32>} : memref<128xi32, #tpu.memory_space<vmem>>, vector<16xi32>,
    %get3A_462 = arith.constant 96 : index
    %get3A_463 = tpu.vector_load %arg19[%get3A_462] {strides = array<i32>} : memref<128xi32, #tpu.memory_space<vmem>>, vector<16xi32>,
    %gather3A_464 = tpu.vector_load_idx %arg11[%get3A_459] : memref<10016xi32, #tpu.memory_space<vmem>>[vector<16xi32>], vector<16xi32>,
    %gather3A_465 = tpu.vector_load_idx %arg12[%get3A_461] : memref<10016xi32, #tpu.memory_space<vmem>>[vector<16xi32>], vector<16xi32>,
    %gather3A_466 = tpu.vector_load_idx %arg21[%gather3A_464] : memref<144xf32, #tpu.memory_space<vmem>>[vector<16xi32>], vector<16xf32>,
    %gather3A_467 = tpu.vector_load_idx %arg22[%gather3A_465] : memref<144xf32, #tpu.memory_space<vmem>>[vector<16xi32>], vector<16xf32>,
    %mul3A_468 = arith.constant 129 : i32
    %mul3A_469 = vector.broadcast %mul3A_468 : i32 to vector<16xi32>
    %mul3A_470 = arith.muli %gather3A_464, %mul3A_469 : vector<16xi32>
    %add3A_471 = arith.addi %mul3A_470, %gather3A_465 : vector<16xi32>
    %gather3A_472 = tpu.vector_load_idx %arg23[%add3A_471] : memref<16704xf32, #tpu.memory_space<vmem>>[vector<16xi32>], vector<16xf32>,
    %add3A_473 = arith.constant 1248 : i32
    %add3A_474 = vector.broadcast %add3A_473 : i32 to vector<16xi32>
    %add3A_475 = arith.addi %get3A_463, %add3A_474 : vector<16xi32>
    %gather3A_476 = tpu.vector_load_idx %arg13[%add3A_475] : memref<1664xf32, #tpu.memory_space<vmem>>[vector<16xi32>], vector<16xf32>,
    %mul3A_477 = arith.constant 0 : i32
    %mul3A_478 = vector.broadcast %mul3A_477 : i32 to vector<16xi32>
    %mul3A_479 = arith.muli %iota3A, %mul3A_478 : vector<16xi32>
    %gather3A_480 = tpu.vector_load_idx %arg20[%mul3A_479] : memref<1xf32, #tpu.memory_space<vmem>>[vector<16xi32>], vector<16xf32>,
    %add3A_481 = arith.addf %gather3A_466, %gather3A_467 : vector<16xf32>
    %add3A_482 = arith.addf %add3A_481, %gather3A_472 : vector<16xf32>
    %add3A_483 = arith.addf %gather3A_476, %gather3A_480 : vector<16xf32>
    %mul3A_484 = vector.broadcast %convert_element_type3A_271 : f32 to vector<16xf32>
    %mul3A_485 = arith.mulf %add3A_483, %mul3A_484 : vector<16xf32>
    %add3A_486 = arith.addf %add3A_482, %mul3A_485 : vector<16xf32>
    %swap3A_487 = arith.constant 96 : index
    %swap3A_488 = tpu.vector_load %arg24[%swap3A_487] {strides = array<i32>} : memref<128xf32, #tpu.memory_space<vmem>>, vector<16xf32>,
    tpu.vector_store %arg24[%swap3A_487], %add3A_486 {strides = array<i32>} : memref<128xf32, #tpu.memory_space<vmem>>, vector<16xf32>,
    %get3A_489 = arith.constant 112 : index
    %get3A_490 = tpu.vector_load %arg17[%get3A_489] {strides = array<i32>} : memref<128xi32, #tpu.memory_space<vmem>>, vector<16xi32>,
    %get3A_491 = arith.constant 112 : index
    %get3A_492 = tpu.vector_load %arg18[%get3A_491] {strides = array<i32>} : memref<128xi32, #tpu.memory_space<vmem>>, vector<16xi32>,
    %get3A_493 = arith.constant 112 : index
    %get3A_494 = tpu.vector_load %arg19[%get3A_493] {strides = array<i32>} : memref<128xi32, #tpu.memory_space<vmem>>, vector<16xi32>,
    %gather3A_495 = tpu.vector_load_idx %arg11[%get3A_490] : memref<10016xi32, #tpu.memory_space<vmem>>[vector<16xi32>], vector<16xi32>,
    %gather3A_496 = tpu.vector_load_idx %arg12[%get3A_492] : memref<10016xi32, #tpu.memory_space<vmem>>[vector<16xi32>], vector<16xi32>,
    %gather3A_497 = tpu.vector_load_idx %arg21[%gather3A_495] : memref<144xf32, #tpu.memory_space<vmem>>[vector<16xi32>], vector<16xf32>,
    %gather3A_498 = tpu.vector_load_idx %arg22[%gather3A_496] : memref<144xf32, #tpu.memory_space<vmem>>[vector<16xi32>], vector<16xf32>,
    %mul3A_499 = arith.constant 129 : i32
    %mul3A_500 = vector.broadcast %mul3A_499 : i32 to vector<16xi32>
    %mul3A_501 = arith.muli %gather3A_495, %mul3A_500 : vector<16xi32>
    %add3A_502 = arith.addi %mul3A_501, %gather3A_496 : vector<16xi32>
    %gather3A_503 = tpu.vector_load_idx %arg23[%add3A_502] : memref<16704xf32, #tpu.memory_space<vmem>>[vector<16xi32>], vector<16xf32>,
    %add3A_504 = arith.constant 1248 : i32
    %add3A_505 = vector.broadcast %add3A_504 : i32 to vector<16xi32>
    %add3A_506 = arith.addi %get3A_494, %add3A_505 : vector<16xi32>
    %gather3A_507 = tpu.vector_load_idx %arg13[%add3A_506] : memref<1664xf32, #tpu.memory_space<vmem>>[vector<16xi32>], vector<16xf32>,
    %mul3A_508 = arith.constant 0 : i32
    %mul3A_509 = vector.broadcast %mul3A_508 : i32 to vector<16xi32>
    %mul3A_510 = arith.muli %iota3A, %mul3A_509 : vector<16xi32>
    %gather3A_511 = tpu.vector_load_idx %arg20[%mul3A_510] : memref<1xf32, #tpu.memory_space<vmem>>[vector<16xi32>], vector<16xf32>,
    %add3A_512 = arith.addf %gather3A_497, %gather3A_498 : vector<16xf32>
    %add3A_513 = arith.addf %add3A_512, %gather3A_503 : vector<16xf32>
    %add3A_514 = arith.addf %gather3A_507, %gather3A_511 : vector<16xf32>
    %mul3A_515 = vector.broadcast %convert_element_type3A_271 : f32 to vector<16xf32>
    %mul3A_516 = arith.mulf %add3A_514, %mul3A_515 : vector<16xf32>
    %add3A_517 = arith.addf %add3A_513, %mul3A_516 : vector<16xf32>
    %swap3A_518 = arith.constant 112 : index
    %swap3A_519 = tpu.vector_load %arg24[%swap3A_518] {strides = array<i32>} : memref<128xf32, #tpu.memory_space<vmem>>, vector<16xf32>,
    tpu.vector_store %arg24[%swap3A_518], %add3A_517 {strides = array<i32>} : memref<128xf32, #tpu.memory_space<vmem>>, vector<16xf32>,
    "tpu.region"() ({
      %run_scoped3A = tpu.sem_alloc : memref<!tpu.dma_semaphore, #tpu.memory_space<semaphore_mem>>
      %dma_start3A = arith.constant 0 : i32
      %dma_start3A_520 = tpu.memref_slice %arg10[%add3A, %dma_start3A] : memref<32x128xf32, #tpu.memory_space<hbm>> -> memref<1x128xf32, #tpu.memory_space<hbm>>
      %dma_start3A_521 = tpu.memref_squeeze %dma_start3A_520 : memref<1x128xf32, #tpu.memory_space<hbm>> -> memref<128xf32, #tpu.memory_space<hbm>>
      %dma_start3A_522 = arith.constant 0 : i32
      %dma_start3A_523 = tpu.memref_slice %arg10[%add3A, %dma_start3A_522] : memref<32x128xf32, #tpu.memory_space<hbm>> -> memref<1x128xf32, #tpu.memory_space<hbm>>
      %dma_start3A_524 = tpu.memref_squeeze %dma_start3A_523 : memref<1x128xf32, #tpu.memory_space<hbm>> -> memref<128xf32, #tpu.memory_space<hbm>>
      tpu.enqueue_dma source(%arg24 : memref<128xf32, #tpu.memory_space<vmem>>) target(%dma_start3A_524 : memref<128xf32, #tpu.memory_space<hbm>>) target_semaphore(%run_scoped3A : memref<!tpu.dma_semaphore, #tpu.memory_space<semaphore_mem>>)
      %dma_wait3A = arith.constant 0 : i32
      %dma_wait3A_525 = tpu.memref_slice %arg10[%add3A, %dma_wait3A] : memref<32x128xf32, #tpu.memory_space<hbm>> -> memref<1x128xf32, #tpu.memory_space<hbm>>
      %dma_wait3A_526 = tpu.memref_squeeze %dma_wait3A_525 : memref<1x128xf32, #tpu.memory_space<hbm>> -> memref<128xf32, #tpu.memory_space<hbm>>
      %dma_wait3A_527 = arith.constant 0 : i32
      %dma_wait3A_528 = tpu.memref_slice %arg10[%add3A, %dma_wait3A_527] : memref<32x128xf32, #tpu.memory_space<hbm>> -> memref<1x128xf32, #tpu.memory_space<hbm>>
      %dma_wait3A_529 = tpu.memref_squeeze %dma_wait3A_528 : memref<1x128xf32, #tpu.memory_space<hbm>> -> memref<128xf32, #tpu.memory_space<hbm>>
      tpu.wait_dma2 semaphore(%run_scoped3A : memref<!tpu.dma_semaphore, #tpu.memory_space<semaphore_mem>>) src(%arg24 : memref<128xf32, #tpu.memory_space<vmem>>) dst(%dma_wait3A_529 : memref<128xf32, #tpu.memory_space<hbm>>)
      tpu.yield
    }) : () -> ()
    return
  }
}

module attributes {stable_mosaic.version = 14 : i64} {
  func.func @_prep_kernel(%arg0: memref<208x40xf32, #tpu.memory_space<vmem>>, %arg1: memref<192x40xf32, #tpu.memory_space<vmem>>, %arg2: memref<8x32xf32, #tpu.memory_space<vmem>>, %arg3: memref<8x8xf32, #tpu.memory_space<vmem>>, %arg4: memref<8x208xf32, #tpu.memory_space<vmem>>, %arg5: memref<8x40xf32, #tpu.memory_space<vmem>>) attributes {dimension_semantics = [], scalar_prefetch = 0 : i64, scratch_operands = 1 : i64, tpu.core_type = #tpu.core_type<tc>} {
    %get3A = arith.constant 0 : index
    %get3A_0 = arith.constant 0 : index
    %get3A_1 = vector.load %arg2[%get3A, %get3A_0] : memref<8x32xf32, #tpu.memory_space<vmem>>, vector<1x32xf32>
    %get3A_2 = arith.constant 0 : index
    %get3A_3 = arith.constant 0 : index
    %get3A_4 = vector.load %arg1[%get3A_2, %get3A_3] : memref<192x40xf32, #tpu.memory_space<vmem>>, vector<32x40xf32>
    %dot_general3A = arith.constant dense<0.000000e+00> : vector<1x40xf32>
    %dot_general3A_5 = tpu.matmul %get3A_1, %get3A_4, %dot_general3A {dimension_numbers = #tpu.dot_dimension_numbers<[1], [0], [0], [1], [0, 0, 1, 1], [], []>, transpose_lhs_hint = false} : vector<1x32xf32>, vector<32x40xf32>, vector<1x40xf32> -> vector<1x40xf32>
    %swap3A = arith.constant 0 : index
    %swap3A_6 = arith.constant 0 : index
    %swap3A_7 = vector.load %arg5[%swap3A, %swap3A_6] : memref<8x40xf32, #tpu.memory_space<vmem>>, vector<1x40xf32>
    tpu.vector_store %arg5[%swap3A, %swap3A_6], %dot_general3A_5 {strides = array<i32>} : memref<8x40xf32, #tpu.memory_space<vmem>>, vector<1x40xf32>,
    %get3A_8 = arith.constant 32 : index
    %get3A_9 = arith.constant 0 : index
    %get3A_10 = vector.load %arg1[%get3A_8, %get3A_9] : memref<192x40xf32, #tpu.memory_space<vmem>>, vector<32x40xf32>
    %dot_general3A_11 = arith.constant dense<0.000000e+00> : vector<1x40xf32>
    %dot_general3A_12 = tpu.matmul %get3A_1, %get3A_10, %dot_general3A_11 {dimension_numbers = #tpu.dot_dimension_numbers<[1], [0], [0], [1], [0, 0, 1, 1], [], []>, transpose_lhs_hint = false} : vector<1x32xf32>, vector<32x40xf32>, vector<1x40xf32> -> vector<1x40xf32>
    %swap3A_13 = arith.constant 1 : index
    %swap3A_14 = arith.constant 0 : index
    %swap3A_15 = vector.load %arg5[%swap3A_13, %swap3A_14] : memref<8x40xf32, #tpu.memory_space<vmem>>, vector<1x40xf32>
    tpu.vector_store %arg5[%swap3A_13, %swap3A_14], %dot_general3A_12 {strides = array<i32>} : memref<8x40xf32, #tpu.memory_space<vmem>>, vector<1x40xf32>,
    %get3A_16 = arith.constant 64 : index
    %get3A_17 = arith.constant 0 : index
    %get3A_18 = vector.load %arg1[%get3A_16, %get3A_17] : memref<192x40xf32, #tpu.memory_space<vmem>>, vector<32x40xf32>
    %dot_general3A_19 = arith.constant dense<0.000000e+00> : vector<1x40xf32>
    %dot_general3A_20 = tpu.matmul %get3A_1, %get3A_18, %dot_general3A_19 {dimension_numbers = #tpu.dot_dimension_numbers<[1], [0], [0], [1], [0, 0, 1, 1], [], []>, transpose_lhs_hint = false} : vector<1x32xf32>, vector<32x40xf32>, vector<1x40xf32> -> vector<1x40xf32>
    %swap3A_21 = arith.constant 2 : index
    %swap3A_22 = arith.constant 0 : index
    %swap3A_23 = vector.load %arg5[%swap3A_21, %swap3A_22] : memref<8x40xf32, #tpu.memory_space<vmem>>, vector<1x40xf32>
    tpu.vector_store %arg5[%swap3A_21, %swap3A_22], %dot_general3A_20 {strides = array<i32>} : memref<8x40xf32, #tpu.memory_space<vmem>>, vector<1x40xf32>,
    %get3A_24 = arith.constant 96 : index
    %get3A_25 = arith.constant 0 : index
    %get3A_26 = vector.load %arg1[%get3A_24, %get3A_25] : memref<192x40xf32, #tpu.memory_space<vmem>>, vector<32x40xf32>
    %dot_general3A_27 = arith.constant dense<0.000000e+00> : vector<1x40xf32>
    %dot_general3A_28 = tpu.matmul %get3A_1, %get3A_26, %dot_general3A_27 {dimension_numbers = #tpu.dot_dimension_numbers<[1], [0], [0], [1], [0, 0, 1, 1], [], []>, transpose_lhs_hint = false} : vector<1x32xf32>, vector<32x40xf32>, vector<1x40xf32> -> vector<1x40xf32>
    %swap3A_29 = arith.constant 3 : index
    %swap3A_30 = arith.constant 0 : index
    %swap3A_31 = vector.load %arg5[%swap3A_29, %swap3A_30] : memref<8x40xf32, #tpu.memory_space<vmem>>, vector<1x40xf32>
    tpu.vector_store %arg5[%swap3A_29, %swap3A_30], %dot_general3A_28 {strides = array<i32>} : memref<8x40xf32, #tpu.memory_space<vmem>>, vector<1x40xf32>,
    %get3A_32 = arith.constant 128 : index
    %get3A_33 = arith.constant 0 : index
    %get3A_34 = vector.load %arg1[%get3A_32, %get3A_33] : memref<192x40xf32, #tpu.memory_space<vmem>>, vector<32x40xf32>
    %dot_general3A_35 = arith.constant dense<0.000000e+00> : vector<1x40xf32>
    %dot_general3A_36 = tpu.matmul %get3A_1, %get3A_34, %dot_general3A_35 {dimension_numbers = #tpu.dot_dimension_numbers<[1], [0], [0], [1], [0, 0, 1, 1], [], []>, transpose_lhs_hint = false} : vector<1x32xf32>, vector<32x40xf32>, vector<1x40xf32> -> vector<1x40xf32>
    %swap3A_37 = arith.constant 4 : index
    %swap3A_38 = arith.constant 0 : index
    %swap3A_39 = vector.load %arg5[%swap3A_37, %swap3A_38] : memref<8x40xf32, #tpu.memory_space<vmem>>, vector<1x40xf32>
    tpu.vector_store %arg5[%swap3A_37, %swap3A_38], %dot_general3A_36 {strides = array<i32>} : memref<8x40xf32, #tpu.memory_space<vmem>>, vector<1x40xf32>,
    %get3A_40 = arith.constant 160 : index
    %get3A_41 = arith.constant 0 : index
    %get3A_42 = vector.load %arg1[%get3A_40, %get3A_41] : memref<192x40xf32, #tpu.memory_space<vmem>>, vector<32x40xf32>
    %dot_general3A_43 = arith.constant dense<0.000000e+00> : vector<1x40xf32>
    %dot_general3A_44 = tpu.matmul %get3A_1, %get3A_42, %dot_general3A_43 {dimension_numbers = #tpu.dot_dimension_numbers<[1], [0], [0], [1], [0, 0, 1, 1], [], []>, transpose_lhs_hint = false} : vector<1x32xf32>, vector<32x40xf32>, vector<1x40xf32> -> vector<1x40xf32>
    %swap3A_45 = arith.constant 5 : index
    %swap3A_46 = arith.constant 0 : index
    %swap3A_47 = vector.load %arg5[%swap3A_45, %swap3A_46] : memref<8x40xf32, #tpu.memory_space<vmem>>, vector<1x40xf32>
    tpu.vector_store %arg5[%swap3A_45, %swap3A_46], %dot_general3A_44 {strides = array<i32>} : memref<8x40xf32, #tpu.memory_space<vmem>>, vector<1x40xf32>,
    %broadcast_in_dim3A = arith.constant 0.000000e+00 : f32
    %broadcast_in_dim3A_48 = vector.broadcast %broadcast_in_dim3A : f32 to vector<1x8xf32>
    %concatenate3A = tpu.concatenate %get3A_1, %broadcast_in_dim3A_48 in 1 : vector<1x32xf32>, vector<1x8xf32> -> vector<1x40xf32>
    %swap3A_49 = arith.constant 6 : index
    %swap3A_50 = arith.constant 0 : index
    %swap3A_51 = vector.load %arg5[%swap3A_49, %swap3A_50] : memref<8x40xf32, #tpu.memory_space<vmem>>, vector<1x40xf32>
    tpu.vector_store %arg5[%swap3A_49, %swap3A_50], %concatenate3A {strides = array<i32>} : memref<8x40xf32, #tpu.memory_space<vmem>>, vector<1x40xf32>,
    %broadcast_in_dim3A_52 = arith.constant 0.000000e+00 : f32
    %broadcast_in_dim3A_53 = vector.broadcast %broadcast_in_dim3A_52 : f32 to vector<1x40xf32>
    %swap3A_54 = arith.constant 7 : index
    %swap3A_55 = arith.constant 0 : index
    %swap3A_56 = vector.load %arg5[%swap3A_54, %swap3A_55] : memref<8x40xf32, #tpu.memory_space<vmem>>, vector<1x40xf32>
    tpu.vector_store %arg5[%swap3A_54, %swap3A_55], %broadcast_in_dim3A_53 {strides = array<i32>} : memref<8x40xf32, #tpu.memory_space<vmem>>, vector<1x40xf32>,
    %get3A_57 = arith.constant 0 : index
    %get3A_58 = arith.constant 0 : index
    %get3A_59 = vector.load %arg5[%get3A_57, %get3A_58] : memref<8x40xf32, #tpu.memory_space<vmem>>, vector<8x40xf32>
    %get3A_60 = arith.constant 0 : index
    %get3A_61 = arith.constant 0 : index
    %get3A_62 = vector.load %arg0[%get3A_60, %get3A_61] : memref<208x40xf32, #tpu.memory_space<vmem>>, vector<208x40xf32>
    %dot_general3A_63 = arith.constant dense<0.000000e+00> : vector<8x208xf32>
    %dot_general3A_64 = tpu.matmul %get3A_59, %get3A_62, %dot_general3A_63 {dimension_numbers = #tpu.dot_dimension_numbers<[1], [1], [0], [0], [0, 0, 1, 0], [], []>, transpose_lhs_hint = false} : vector<8x40xf32>, vector<208x40xf32>, vector<8x208xf32> -> vector<8x208xf32>
    %get3A_65 = arith.constant 0 : index
    %get3A_66 = arith.constant 0 : index
    %get3A_67 = vector.load %arg3[%get3A_65, %get3A_66] : memref<8x8xf32, #tpu.memory_space<vmem>>, vector<8x8xf32>
    %dot_general3A_68 = arith.constant dense<0.000000e+00> : vector<8x208xf32>
    %dot_general3A_69 = tpu.matmul %get3A_67, %dot_general3A_64, %dot_general3A_68 {dimension_numbers = #tpu.dot_dimension_numbers<[1], [0], [0], [1], [0, 0, 1, 1], [], []>, transpose_lhs_hint = false} : vector<8x8xf32>, vector<8x208xf32>, vector<8x208xf32> -> vector<8x208xf32>
    %swap3A_70 = arith.constant 0 : index
    %swap3A_71 = arith.constant 0 : index
    %swap3A_72 = vector.load %arg4[%swap3A_70, %swap3A_71] : memref<8x208xf32, #tpu.memory_space<vmem>>, vector<8x208xf32>
    tpu.vector_store %arg4[%swap3A_70, %swap3A_71], %dot_general3A_69 {strides = array<i32>} : memref<8x208xf32, #tpu.memory_space<vmem>>, vector<8x208xf32>,
    return
  }
}

module attributes {stable_mosaic.version = 14 : i64} {
  func.func @_finish_kernel(%arg0: memref<32x128xf32, #tpu.memory_space<vmem>>, %arg1: memref<1x128xf32, #tpu.memory_space<vmem>>) attributes {dimension_semantics = [], scalar_prefetch = 0 : i64, scratch_operands = 0 : i64, tpu.core_type = #tpu.core_type<tc>} {
    %get3A = arith.constant 0 : index
    %get3A_0 = arith.constant 0 : index
    %get3A_1 = vector.load %arg0[%get3A, %get3A_0] : memref<32x128xf32, #tpu.memory_space<vmem>>, vector<32x128xf32>
    %reduce_sum3A = arith.constant dense<0.000000e+00> : vector<128xf32>
    %reduce_sum3A_2 = vector.multi_reduction <add>, %get3A_1, %reduce_sum3A [0] : vector<32x128xf32> to vector<128xf32>
    %broadcast_in_dim3A = vector.shape_cast %reduce_sum3A_2 : vector<128xf32> to vector<1x128xf32>
    %swap3A = arith.constant 0 : index
    %swap3A_3 = arith.constant 0 : index
    %swap3A_4 = vector.load %arg1[%swap3A, %swap3A_3] : memref<1x128xf32, #tpu.memory_space<vmem>>, vector<1x128xf32>
    tpu.vector_store %arg1[%swap3A, %swap3A_3], %broadcast_in_dim3A {strides = array<i32>} : memref<1x128xf32, #tpu.memory_space<vmem>>, vector<1x128xf32>,
    return
  }
}

</mosaic_0001>

<sc_bundles>
// kernel: kernel.5.cloned.1.call-start
scs
__scs_entry_jumppad:
0x0: {  	(pc) =	sbr.rel $0x88, $3  }
0x1: {  	(tag) =	ssettag $0x0;
	lr =	simm.s32 $0x1  }
0x2: {  	[smem:$0x3F97] =	sst lr;
	_ =	strace $0xD0000000  }
0x3: {  	_ = 	snop  }
0x4: {  	_ = 	snop  }
0x5: {  	_ = 	snop  }
0x6: {  	_ = 	snop  }
0x7: {  	_ = 	snop  }
__scs_overlays_trampoline_lowered:
0x8: {  	[smem:$0x3FA6] =	sst s0  }
0x9: {  	[smem:$0x3FA7] =	sst s1  }
0xa: {  	[smem:$0x3FA8] =	sst s2  }
0xb: {  	[smem:$0x3FA9] =	sst s3  }
0xc: {  	[smem:$0x3FAA] =	sst s4  }
0xd: {  	[smem:$0x3FAB] =	sst s5  }
0xe: {  	[smem:$0x3FAC] =	sst s6  }
0xf: {  	[smem:$0x3FAD] =	sst s7  }
0x10: {  	[smem:$0x3FAE] =	sst s8  }
0x11: {  	[smem:$0x3FAF] =	sst s9;
	s0 =	simm.s32 @!p0 $0x0  }
0x12: {  	s1 =	sld [smem:$0x3F95];
	s0 =	simm.s32 @p0 $0x1  }
0x13: {  	[smem:$0x3FB0] =	sst s0;
	s0 =	simm.s32 @!p1 $0x0  }
0x14: {  	s2 =	sld [smem:$0x3F94];
	s0 =	simm.s32 @p1 $0x1  }
0x15: {  	[smem:$0x3FB1] =	sst s0;
	s0 =	simm.s32 @!p2 $0x0  }
0x16: {  	s3 =	sld [smem:$0x3FDB];
	s0 =	simm.s32 @p2 $0x1  }
0x17: {  	s4 =	simm.s32 $0x1BF5;
	[smem:$0x3FB3] =	sst s0  }
0x18: {  	s0 =	sld [smem:$0x3F96];
	_ =	swait.ge [sflag:s4], $0x0  }
0x19: {  	s7 =	sld [smem:$0x3F97]  }
0x1a: {  	s8 =	sadd.s32 $0xFFFFE003, lr  }
0x1b: {  	s9 =	sadd.s32 $0xFFFFFEF7, lr;
	s5 =	simm.s32 $0xFFFFFFFF;
	p2 =	slt.u32 s8, $0xFFFFF086  }
0x1c: {  	p1 =	slt.u32 s9, $0xF7A;
	s5 =	simm.s32 @!p2 $0x0  }
0x1d: {  	s5 =	simm.s32 @p1 $0x1;
	p0 =	seq.s32 s7, s2  }
0x1e: {  	s7 =	smul.u32 @!p0 $0xF7A, s2;
	p2 =	seq.s32 @!p0 s5, $0x0  }
0x1f: {  	s9 =	smul.u32 $0xF7A, s1;
	s8 =	simm.s32 @!p0 $0x1BF5;
	p2 =	por !p2, p0  }
0x20: {  	[sflag:s8] =	ssyncset.s32 @!p0 $0xFFFFF086;
	s6 =	sadd.s32 @!p0 s3, s7;
	s7 =	simm.s32 @!p0 $0x108  }
0x21: {  	s3 =	sadd.s32 s3, s9;
	s6 =	sadd.s32 @!p0 $0x88, s6;
	s7 =	simm.s32 @p2 $0x1082  }
0x22: {  	[simem:s7], [sflag:s8] =	dma.local @!p0 [hbm:s6], $0xF7A  }
0x23: {  	s9 =	sor.u32 $0xD0000000, s2;
	s6 =	simm.s32 $0x108;
	_ =	swait.ge @!p0 [sflag:s8], $0x0  }
0x24: {  	s3 =	sadd.s32 $0x88, s3;
	s6 =	simm.s32 @!p1 $0x1082;
	[sflag:s4] =	ssyncset.s32 $0xFFFFF086  }
0x25: {  	[simem:s6], [sflag:s4] =	dma.local [hbm:s3], $0xF7A  }
0x26: {  	[smem:$0x3F97] =	sst s1;
	(tag) =	ssettag s2;
	_ =	strace s9  }
0x27: {  	s1 =	sld [smem:$0x3FA7]  }
0x28: {  	s2 =	sld [smem:$0x3FA8]  }
0x29: {  	s4 =	sld [smem:$0x3FAA]  }
0x2a: {  	p0 =	seq.s32 s5, $0x0;
	s5 =	sld [smem:$0x3FAB]  }
0x2b: {  	s6 =	sld [smem:$0x3FAC]  }
0x2c: {  	s7 =	sld [smem:$0x3FAD]  }
0x2d: {  	s3 =	simm.s32 $0x108;
	s8 =	sld [smem:$0x3FAE]  }
0x2e: {  	s3 =	simm.s32 @!p0 $0x1082;
	s9 =	sld [smem:$0x3FAF]  }
0x2f: {  	lr =	sadd.s32 s0, s3;
	s0 =	sld [smem:$0x3FA6]  }
0x30: {  	s3 =	sld [smem:$0x3FA9]  }
0x31: {  	[smem:$0x3FB2] =	sst s10  }
0x32: {  	s10 =	sld [smem:$0x3FB0];
	_ =	sdelay $0x3  }
0x33: {  	p0 =	seq.s32 s10, $0x1;
	s10 =	sld [smem:$0x3FB2];
	_ =	sdelay $0x3  }
0x34: {  	[smem:$0x3FB2] =	sst s10  }
0x35: {  	s10 =	sld [smem:$0x3FB1];
	_ =	sdelay $0x3  }
0x36: {  	p1 =	seq.s32 s10, $0x1;
	s10 =	sld [smem:$0x3FB2];
	_ =	sdelay $0x3  }
0x37: {  	[smem:$0x3FB2] =	sst s10  }
0x38: {  	s10 =	sld [smem:$0x3FB3]  }
0x39: {  	_ = 	snop;
	(pc) =	sbr.ind lr, $3  }
0x3a: {  	_ = 	snop  }
0x3b: {  	_ = 	snop  }
0x3c: {  	p2 =	seq.s32 s10, $0x1;
	s10 =	sld [smem:$0x3FB2]  }
0x3d: {  	_ =	shalt  }
0x3e: {  	_ =	shalt  }
0x3f: {  	_ =	shalt  }
0x40: {  	_ =	shalt  }
0x41: {  	_ =	shalt  }
0x42: {  	_ =	shalt  }
0x43: {  	_ =	shalt  }
0x44: {  	_ =	shalt  }
0x45: {  	_ =	shalt  }
0x46: {  	_ =	shalt  }
0x47: {  	_ =	shalt  }
0x48: {  	_ =	shalt  }
0x49: {  	_ =	shalt  }
0x4a: {  	_ =	shalt  }
0x4b: {  	_ =	shalt  }
0x4c: {  	_ =	shalt  }
0x4d: {  	_ =	shalt  }
0x4e: {  	_ =	shalt  }
0x4f: {  	_ =	shalt  }
0x50: {  	_ =	shalt  }
0x51: {  	_ =	shalt  }
0x52: {  	_ =	shalt  }
0x53: {  	_ =	shalt  }
0x54: {  	_ =	shalt  }
0x55: {  	_ =	shalt  }
0x56: {  	_ =	shalt  }
0x57: {  	_ =	shalt  }
0x58: {  	_ =	shalt  }
0x59: {  	_ =	shalt  }
0x5a: {  	_ =	shalt  }
0x5b: {  	_ =	shalt  }
0x5c: {  	_ =	shalt  }
0x5d: {  	_ =	shalt  }
0x5e: {  	_ =	shalt  }
0x5f: {  	_ =	shalt  }
0x60: {  	_ =	shalt  }
0x61: {  	_ =	shalt  }
0x62: {  	_ =	shalt  }
0x63: {  	_ =	shalt  }
0x64: {  	_ =	shalt  }
0x65: {  	_ =	shalt  }
0x66: {  	_ =	shalt  }
0x67: {  	_ =	shalt  }
0x68: {  	_ =	shalt  }
0x69: {  	_ =	shalt  }
0x6a: {  	_ =	shalt  }
0x6b: {  	_ =	shalt  }
0x6c: {  	_ =	shalt  }
0x6d: {  	_ =	shalt  }
0x6e: {  	_ =	shalt  }
0x6f: {  	_ =	shalt  }
0x70: {  	_ =	shalt  }
0x71: {  	_ =	shalt  }
0x72: {  	_ =	shalt  }
0x73: {  	_ =	shalt  }
0x74: {  	_ =	shalt  }
0x75: {  	_ =	shalt  }
0x76: {  	_ =	shalt  }
0x77: {  	_ =	shalt  }
0x78: {  	_ =	shalt  }
0x79: {  	_ =	shalt  }
0x7a: {  	_ =	shalt  }
0x7b: {  	_ =	shalt  }
0x7c: {  	_ =	shalt  }
0x7d: {  	_ =	shalt  }
0x7e: {  	_ =	shalt  }
0x7f: {  	_ =	shalt  }
0x80: {  	_ =	shalt  }
0x81: {  	_ =	shalt  }
0x82: {  	_ =	shalt  }
0x83: {  	_ =	shalt  }
0x84: {  	_ =	shalt  }
0x85: {  	_ =	shalt  }
0x86: {  	_ =	shalt  }
0x87: {  	_ =	shalt  }
.Lfunc_end0:
.L_simem_size_0:
called_computation_lowered:
.L_overlay_start_0:
0x88: {  	s2 =	sld [smem:$0x3FD9]  }
0x89: {  	s3 =	sld [smem:$0x3FFE];
	_ =	sdelay $0x1  }
0x8a: {  	s1 =	srdreg.scid  }
0x8b: {  	s0 =	sand.u32 $0x1, s1  }
0x8c: {  	s17 =	sshll.u32 s0, $0xA;
	s2 =	sadd.s32 s3, s2  }
0x8d: {  	s2 =	sadd.s32 s2, s17  }
0x8e: {  	[smem:$0x3FBE] =	sst s2  }
0x8f: {  	_ = 	snop  }
0x90: {  	s2 =	sld [smem:$0x3FC8]  }
0x91: {  	s18 =	sld [smem:$0x3FC7]  }
0x92: {  	s4 =	sld [smem:$0x3FC6]  }
0x93: {  	s5 =	sld [smem:$0x3FC5]  }
0x94: {  	s6 =	sld [smem:$0x3FC0];
	(tm) =	ssettm $0x1  }
0x95: {  	s7 =	sld [smem:$0x3FFB];
	_ =	sdelay $0x3  }
0x96: {  	_ =	strace s7  }
0x97: {  	s7 =	sld [smem:$0x3FFC];
	_ =	sdelay $0x3  }
0x98: {  	_ =	strace s7  }
0x99: {  	s7 =	sld [smem:$0x3FFD];
	_ =	sdelay $0x3  }
0x9a: {  	_ =	strace s7  }
0x9b: {  	_ =	strace $0x8FFFFFFF  }
0x9c: {  	s19 =	sld [smem:$0x3FDB];
	_ =	sdelay $0x1  }
0x9d: {  	s8 =	simm.s32 $_scs_section_size  }
0x9e: {  	s9 =	simm.s32 $_size__tile_overlayer_lowered;
	s10 =	simm.s32 $_tile_overlayer_lowered  }
0x9f: {  	s22 =	simm.s32 $0x1BFF;
	s21 =	sshll.u32 s10, $0x1;
	s7 =	sadd.s32 s8, s19  }
0xa0: {  	s11 =	simm.s32 $0x0;
	s20 =	sshll.u32 s9, $0x1;
	s9 =	sadd.s32 s21, s7  }
0xa1: {  	[timem:s11], [sflag:s22] =	dma.local [hbm:s9], s20  }
0xa2: {  	_ =	swait.ge [sflag:s22], s20  }
0xa3: {  	s8 =	ssub.s32 $0x0, s20;
	[sflag:s22] =	ssyncset.done $0x0  }
0xa4: {  	[sflag:s22] =	ssyncadd.s32 s8;
	_ =	sdelay $0x1  }
0xa5: {  	s23 =	simm.s32 $0x1B8B  }
0xa6: {  	_ =	swait.ge [sflag:s23], $0x1  }
0xa7: {  	[sflag:s23] =	ssyncset.done $0x0  }
0xa8: {  	s25 =	simm.s32 $0x1B8E;
	s24 =	sld [smem:$0x3FFE];
	[sflag:s23] =	ssyncadd.s32 $0xFFFFFFFF  }
0xa9: {  	s26 =	simm.s32 $execute0_lowered;
	[smem:$0x3FD2] =	sst s25  }
0xaa: {  	s9 =	sshll.u32 s26, $0x1;
	_ =	strace $0x80000046;
	[dreg:$0x1] =	wrdreg $0xFFFFFFFF  }
0xab: {  	s28 =	simm.s32 $_size_execute0_lowered;
	s7 =	sadd.s32 s7, s9;
	[dreg:$0x0] =	wrdreg $0x0  }
0xac: {  	s9 =	sshll.u32 s28, $0x1;
	[dreg:$0x2] =	wrdreg s7  }
0xad: {  	[dreg:$0x3] =	wrdreg s9  }
0xae: {  	[dreg:$0x4] =	wrdreg $0xC0  }
0xaf: {  	_ =	task [dreg:s11], $0x5FFFF  }
0xb0: {  	[dreg:$0x1] =	wrdreg $0xFFFFFFFF  }
0xb1: {  	[dreg:$0x0] =	wrdreg $0x60  }
0xb2: {  	[dreg:$0x2] =	wrdreg s24  }
0xb3: {  	[dreg:$0x3] =	wrdreg s2  }
0xb4: {  	[dreg:$0x4] =	wrdreg s18  }
0xb5: {  	[dreg:$0x5] =	wrdreg s4  }
0xb6: {  	[dreg:$0x6] =	wrdreg s5  }
0xb7: {  	[dreg:$0x7] =	wrdreg s6  }
0xb8: {  	[dreg:$0x8] =	wrdreg $0x9  }
0xb9: {  	_ =	task.clear_ibuf [dreg:s11], $0x9FFFF;
	_ =	strace $0x90000046  }
0xba: {  	s29 =	simm.s32 $0x9;
	_ =	strace $0x80000048  }
0xbb: {  	_ =	swait.ge [sflag:s29], $0x1  }
0xbc: {  	[sflag:s29] =	ssyncadd.s32 $0xFFFFFFFF  }
0xbd: {  	_ =	strace $0x90000048  }
0xbe: {  	_ =	sfence  }
0xbf: {  	s30 =	sld [smem:$0x0];
	_ =	sdelay $0x2  }
0xc0: {  	s31 =	sshll.u32 s1, $0xD;
	s1 =	sshrl.u32 s1, $0x2  }
0xc1: {  	s3 =	sand.u32 $0x4000, s31;
	s1 =	sadd.s32 s1, s30  }
0xc2: {  	s0 =	sor.u32 s3, s0;
	s1 =	sshll.u32 s1, $0x11  }
0xc3: {  	s0 =	sor.u32 s1, s0  }
0xc4: {  	s0 =	sadd.s32 $0x8F2B, s0  }
0xc5: {  	[sflag:s0] =	ssyncadd.remote.s32 $0x1  }
0xc6: {  	_ =	sfence.sel $0xFFFF  }
0xc7: {  	[dreg:$0x0] =	wrdreg $0xFFFFFFFF;
	(pc) =	sbr.abs _section_cstart, $3  }
0xc8: {  	[dreg:$0x1] =	wrdreg $0xFFFFFFFF  }
0xc9: {  	_ =	task.clear_ibuf [dreg:s11], $0x2FFFF;
	_ =	strace $0x9FFFFFFF  }
0xca: {  	(tm) =	ssettm $0x7FFFFFFF  }
0xcb: {  	_ =	shalt  }
tec
execute0_lowered:
.L_overlay_start_1:
0x0: {  	(tag) =	ssettag $0x1  }
0x1: {  	s0 =	rddreg [dreg:$0x0]  }
0x2: {  	s1 =	rddreg [dreg:$0x1]  }
0x3: {  	s2 =	srdreg.scid;
	s3 =	stileid.u32;
	s6 =	simm.s32 $0x0  }
0x4: {  	s9 =	simm.s32 $0x57;
	s23 =	simm.s32 $0x2780;
	s28 =	simm.s32 $0x4F00  }
0x5: {  	s29 =	simm.s32 $0x6A80;
	s30 =	simm.s32 $0x1;
	s31 =	simm.s32 $0x6D00  }
0x6: {  	s2 =	sand.u32 $0x1, s2;
	s3 =	sshll.u32 s3, $0x1;
	[smem:$0x7FF] =	sst s6  }
0x7: {  	s7 =	sadd.s32 $0xE00, s0;
	s8 =	sadd.s32 $0x4200, s0;
	s13 =	sadd.s32 $0x27BC, s0  }
0x8: {  	s14 =	sadd.s32 $0x4026, s0;
	s15 =	sadd.s32 $0x17BC, s1;
	s3 =	sor.u32 s2, s3  }
0x9: {  	_ =	strace $0x80000047;
	s2 =	ssub.s32 $0x2, s2;
	s4 =	smul.u32 $0x620, s3  }
0xa: {  	s10 =	sshll.u32 s3, $0x4;
	s11 =	sshrl.u32 s2, $0x1;
	p0 =	seq.s32 s3, $0x1F  }
0xb: {  	p1 =	seq.s32 s3, $0x0;
	s3 =	simm.s32 $0x6B00;
	s16 =	sadd.s32 s10, s0  }
0xc: {  	s2 =	ssub.s32 s2, s11;
	s9 =	simm.s32 @!p0 $0x62;
	s4 =	sshrl.u32 s4, $0x3  }
0xd: {  	s26 =	sshrl.u32 s9, $0x2;
	s17 =	sand.u32 $0x74, s9;
	s18 =	sadd.s32 $0x4800, s16  }
0xe: {  	s19 =	smax.u32 s2, $0x1;
	s2 =	simm.s32 $0x2;
	s5 =	sadd.s32 s4, s0  }
0xf: {  	v0 =	vlaneseq.u32;
	s12 =	sadd.s32 s1, s4;
	s0 =	simm.f32 $1.000000000e+00;
	s25 =	sshll.u32 s26, $0x6  }
0x10: {  	v2 =	vimm.f32 $0.0e+00;
	v3 =	vor.u32 $0x10, v0;
	v4 =	vor.u32 $0x20, v0;
	s1 =	simm.s32 $0xAE80;
	s4 =	simm.s32 $0x0;
	s10 =	sadd.s32 $0x1000, s5  }
0x11: {  	v5 =	vor.u32 $0x30, v0;
	v6 =	vor.u32 $0x40, v0;
	v7 =	vor.u32 $0x50, v0;
	s11 =	sadd.s32 $0x286A, s5;
	s0 =	simm.s32 @!p1 $0x0;
	s20 =	sadd.s32 $0x5580, s25  }
0x12: {  	v8 =	vor.u32 $0x60, v0;
	v9 =	vor.u32 $0x70, v0;
	s21 =	sadd.s32 $0x5C00, s25;
	s22 =	sadd.s32 $0x6280, s25;
	v1 =	vmov s0;
	s0 =	simm.s32 $0x6C00  }
.LBB2_1:
0x13: {  	[tilespmem:s6], [sflag:$0x1] =	stream.linear.gather [hbm4b:s8+s6], $0x2780, $0x38;
	[tilespmem:$0xAF00] =	vst v63  }
0x14: {  	_ = 	snop  }
0x15: {  	[tilespmem:s23], [sflag:$0x1] =	stream.linear.gather [hbm4b:s8+s6], $0x2780, $0x38;
	[tilespmem:$0xAF00] =	vst v63  }
0x16: {  	s5 =	rddreg [dreg:$0x2];
	s16 =	simm.s32 $0x6900  }
0x17: {  	[tilespmem:s16], [sflag:$0x1] =	stream.linear.gather [hbm4b:s5+s6], $0x80, $0x38;
	[tilespmem:$0xAF00] =	vst v63  }
0x18: {  	s24 =	rddreg [dreg:$0x3];
	s25 =	simm.s32 $0x6980  }
0x19: {  	[tilespmem:s25], [sflag:$0x1] =	stream.linear.gather [hbm4b:s24+s6], $0x80, $0x38;
	[tilespmem:$0xAF00] =	vst v63  }
0x1a: {  	s16 =	rddreg [dreg:$0x4];
	s24 =	simm.s32 $0x6A00  }
0x1b: {  	[tilespmem:s24], [sflag:$0x1] =	stream.linear.gather [hbm4b:s16+s6], $0x80, $0x38;
	[tilespmem:$0xAF00] =	vst v63  }
0x1c: {  	_ = 	snop  }
0x1d: {  	[tilespmem:s28], [sflag:$0x1] =	stream.linear.gather [hbm4b:s7+s6], $0x680, $0x38;
	[tilespmem:$0xAF00] =	vst v63  }
0x1e: {  	s25 =	rddreg [dreg:$0x5]  }
0x1f: {  	[tilespmem:s29], [sflag:$0x1] =	stream.linear.gather [hbm4b:s25+s6], $0x80, $0x38;
	[tilespmem:$0xAF00] =	vst v63  }
0x20: {  	s5 =	simm.s32 @p0 $0x0;
	s16 =	simm.s32 @p0 $0x5580  }
0x21: {  	[tilespmem:s16], [sflag:$0x2] =	stream.linear.gather @p0 [hbm4b:s13+s5], $0x570, $0x38;
	[tilespmem:$0xAF00] =	vst v63  }
0x22: {  	s16 =	simm.s32 @p0 $0x2  }
0x23: {  	_ =	swait.ge @p0 [sflag:s16], $0x570  }
0x24: {  	[sflag:s16] =	ssyncset.done @p0 $0x0  }
0x25: {  	s24 =	simm.s32 @p0 $0x5C00;
	[sflag:s16] =	ssyncadd.s32 @p0 $0xFFFFFA90  }
0x26: {  	[tilespmem:s24], [sflag:$0x2] =	stream.linear.gather @p0 [hbm4b:s14+s5], $0x570, $0x38;
	[tilespmem:$0xAF00] =	vst v63  }
0x27: {  	_ =	swait.ge @p0 [sflag:s16], $0x570  }
0x28: {  	[sflag:s16] =	ssyncset.done @p0 $0x0  }
0x29: {  	s24 =	simm.s32 @p0 $0x6280;
	[sflag:s16] =	ssyncadd.s32 @p0 $0xFFFFFA90  }
0x2a: {  	[tilespmem:s24], [sflag:$0x2] =	stream.linear.gather @p0 [hbm4b:s15+s5], $0x570, $0x38;
	[tilespmem:$0xAF00] =	vst v63  }
0x2b: {  	_ =	swait.ge @p0 [sflag:s16], $0x570  }
0x2c: {  	[sflag:s16] =	ssyncset.done @p0 $0x0  }
0x2d: {  	s5 =	simm.s32 @!p0 $0x0;
	[sflag:s16] =	ssyncadd.s32 @p0 $0xFFFFFA90;
	s16 =	simm.s32 @!p0 $0x5580  }
0x2e: {  	[tilespmem:s16], [sflag:$0x2] =	stream.linear.gather @!p0 [hbm4b:s10+s5], $0x620, $0x38;
	[tilespmem:$0xAF00] =	vst v63  }
0x2f: {  	s16 =	simm.s32 @!p0 $0x2  }
0x30: {  	_ =	swait.ge @!p0 [sflag:s16], $0x620  }
0x31: {  	[sflag:s16] =	ssyncset.done @!p0 $0x0  }
0x32: {  	s24 =	simm.s32 @!p0 $0x5C00;
	[sflag:s16] =	ssyncadd.s32 @!p0 $0xFFFFF9E0  }
0x33: {  	[tilespmem:s24], [sflag:$0x2] =	stream.linear.gather @!p0 [hbm4b:s11+s5], $0x620, $0x38;
	[tilespmem:$0xAF00] =	vst v63  }
0x34: {  	_ =	swait.ge @!p0 [sflag:s16], $0x620  }
0x35: {  	[sflag:s16] =	ssyncset.done @!p0 $0x0  }
0x36: {  	s24 =	simm.s32 @!p0 $0x6280;
	[sflag:s16] =	ssyncadd.s32 @!p0 $0xFFFFF9E0  }
0x37: {  	[tilespmem:s24], [sflag:$0x2] =	stream.linear.gather @!p0 [hbm4b:s12+s5], $0x620, $0x38;
	[tilespmem:$0xAF00] =	vst v63  }
0x38: {  	_ =	swait.ge @!p0 [sflag:s16], $0x620  }
0x39: {  	[sflag:s16] =	ssyncset.done @!p0 $0x0  }
0x3a: {  	[sflag:s16] =	ssyncadd.s32 @!p0 $0xFFFFF9E0  }
0x3b: {  	_ =	swait.ge [sflag:s30], $0x2780  }
0x3c: {  	[sflag:s30] =	ssyncset.done $0x0  }
0x3d: {  	[sflag:s30] =	ssyncadd.s32 $0xFFFFD880  }
0x3e: {  	_ =	swait.ge [sflag:s30], $0x2780  }
0x3f: {  	[sflag:s30] =	ssyncset.done $0x0  }
0x40: {  	[sflag:s30] =	ssyncadd.s32 $0xFFFFD880  }
0x41: {  	_ =	swait.ge [sflag:s30], $0x80  }
0x42: {  	[sflag:s30] =	ssyncset.done $0x0  }
0x43: {  	[sflag:s30] =	ssyncadd.s32 $0xFFFFFF80  }
0x44: {  	_ =	swait.ge [sflag:s30], $0x80  }
0x45: {  	[sflag:s30] =	ssyncset.done $0x0  }
0x46: {  	[sflag:s30] =	ssyncadd.s32 $0xFFFFFF80  }
0x47: {  	_ =	swait.ge [sflag:s30], $0x80  }
0x48: {  	[sflag:s30] =	ssyncset.done $0x0  }
0x49: {  	[sflag:s30] =	ssyncadd.s32 $0xFFFFFF80  }
0x4a: {  	_ =	swait.ge [sflag:s30], $0x680  }
0x4b: {  	[sflag:s30] =	ssyncset.done $0x0  }
0x4c: {  	[sflag:s30] =	ssyncadd.s32 $0xFFFFF980  }
0x4d: {  	_ =	swait.ge [sflag:s30], $0x80  }
0x4e: {  	[sflag:s30] =	ssyncset.done $0x0  }
0x4f: {  	[sflag:s30] =	ssyncadd.s32 $0xFFFFFF80  }
0x50: {  	[tilespmem:$0x6B00] =	vst v2  }
0x51: {  	[tilespmem:$0x6C00] =	vst v2  }
0x52: {  	[tilespmem:$0x6B10] =	vst v2  }
0x53: {  	[tilespmem:$0x6C10] =	vst v2  }
0x54: {  	[tilespmem:$0x6B20] =	vst v2  }
0x55: {  	[tilespmem:$0x6C20] =	vst v2  }
0x56: {  	[tilespmem:$0x6B30] =	vst v2  }
0x57: {  	[tilespmem:$0x6C30] =	vst v2  }
0x58: {  	[tilespmem:$0x6B40] =	vst v2  }
0x59: {  	[tilespmem:$0x6C40] =	vst v2  }
0x5a: {  	[tilespmem:$0x6B50] =	vst v2;
	v10 =	vld [tilespmem:$0x6900]  }
0x5b: {  	[tilespmem:$0x6C50] =	vst v2;
	v11 =	vld [tilespmem:$0x6980]  }
0x5c: {  	[tilespmem:$0x6B60] =	vst v2  }
0x5d: {  	[tilespmem:$0x6C60] =	vst v2  }
0x5e: {  	[tilespmem:$0x6B70] =	vst v2  }
0x5f: {  	[tilespmem:$0x6C70] =	vst v2  }
0x60: {  	[tilespmem:$0x6B80] =	vst v2  }
0x61: {  	[tilespmem:$0x6C80] =	vst v2  }
0x62: {  	[tilespmem:v10+s6+$0x0] =	vst.idx.msk $0xffff, v0  }
0x63: {  	[tilespmem:v11+s23+$0x0] =	vst.idx.msk $0xffff, v0  }
0x64: {  	v10 =	vld [tilespmem:$0x6910]  }
0x65: {  	v11 =	vld [tilespmem:$0x6990];
	_ =	sdelay $0x6  }
0x66: {  	[tilespmem:v10+s6+$0x0] =	vst.idx.msk $0xffff, v3  }
0x67: {  	[tilespmem:v11+s23+$0x0] =	vst.idx.msk $0xffff, v3  }
0x68: {  	v10 =	vld [tilespmem:$0x6920]  }
0x69: {  	v11 =	vld [tilespmem:$0x69A0];
	_ =	sdelay $0x6  }
0x6a: {  	[tilespmem:v10+s6+$0x0] =	vst.idx.msk $0xffff, v4  }
0x6b: {  	[tilespmem:v11+s23+$0x0] =	vst.idx.msk $0xffff, v4  }
0x6c: {  	v10 =	vld [tilespmem:$0x6930]  }
0x6d: {  	v11 =	vld [tilespmem:$0x69B0];
	_ =	sdelay $0x6  }
0x6e: {  	[tilespmem:v10+s6+$0x0] =	vst.idx.msk $0xffff, v5  }
0x6f: {  	[tilespmem:v11+s23+$0x0] =	vst.idx.msk $0xffff, v5  }
0x70: {  	v10 =	vld [tilespmem:$0x6940]  }
0x71: {  	v11 =	vld [tilespmem:$0x69C0];
	_ =	sdelay $0x6  }
0x72: {  	[tilespmem:v10+s6+$0x0] =	vst.idx.msk $0xffff, v6  }
0x73: {  	[tilespmem:v11+s23+$0x0] =	vst.idx.msk $0xffff, v6  }
0x74: {  	v10 =	vld [tilespmem:$0x6950]  }
0x75: {  	v11 =	vld [tilespmem:$0x69D0];
	_ =	sdelay $0x6  }
0x76: {  	[tilespmem:v10+s6+$0x0] =	vst.idx.msk $0xffff, v7  }
0x77: {  	[tilespmem:v11+s23+$0x0] =	vst.idx.msk $0xffff, v7  }
0x78: {  	v10 =	vld [tilespmem:$0x6960]  }
0x79: {  	v11 =	vld [tilespmem:$0x69E0];
	_ =	sdelay $0x6  }
0x7a: {  	[tilespmem:v10+s6+$0x0] =	vst.idx.msk $0xffff, v8  }
0x7b: {  	[tilespmem:v11+s23+$0x0] =	vst.idx.msk $0xffff, v8  }
0x7c: {  	v10 =	vld [tilespmem:$0x6970]  }
0x7d: {  	v11 =	vld [tilespmem:$0x69F0];
	_ =	sdelay $0x6  }
0x7e: {  	[tilespmem:v10+s6+$0x0] =	vst.idx.msk $0xffff, v9  }
0x7f: {  	[tilespmem:v11+s23+$0x0] =	vst.idx.msk $0xffff, v9  }
0x80: {  	v10 =	vld [tilespmem:$0x6900];
	_ =	sdelay $0x1  }
0x81: {  	v11 =	vld [tilespmem:$0x6980];
	_ =	sdelay $0x5  }
0x82: {  	v10 =	vld.idx.msk [tilespmem:v10+s6+$0x0], $0xffff;
	_ =	sdelay $0x1  }
0x83: {  	v11 =	vld.idx.msk [tilespmem:v11+s23+$0x0], $0xffff;
	_ =	sdelay $0x2  }
0x84: {  	v10 =	vmul.u32 $0x81, v10;
	_ =	sdelay $0x1  }
0x85: {  	v10 =	vadd.s32 v11, v10;
	_ =	sdelay $0x4  }
0x86: {  	[tilespmem:v10+s31+$0x0] =	vst.idx.msk $0xffff, v2  }
0x87: {  	v10 =	vld [tilespmem:$0x6910];
	_ =	sdelay $0x1  }
0x88: {  	v11 =	vld [tilespmem:$0x6990];
	_ =	sdelay $0x5  }
0x89: {  	v10 =	vld.idx.msk [tilespmem:v10+s6+$0x0], $0xffff;
	_ =	sdelay $0x1  }
0x8a: {  	v11 =	vld.idx.msk [tilespmem:v11+s23+$0x0], $0xffff;
	_ =	sdelay $0x2  }
0x8b: {  	v10 =	vmul.u32 $0x81, v10;
	_ =	sdelay $0x1  }
0x8c: {  	v10 =	vadd.s32 v11, v10;
	_ =	sdelay $0x4  }
0x8d: {  	[tilespmem:v10+s31+$0x0] =	vst.idx.msk $0xffff, v2  }
0x8e: {  	v10 =	vld [tilespmem:$0x6920];
	_ =	sdelay $0x1  }
0x8f: {  	v11 =	vld [tilespmem:$0x69A0];
	_ =	sdelay $0x5  }
0x90: {  	v10 =	vld.idx.msk [tilespmem:v10+s6+$0x0], $0xffff;
	_ =	sdelay $0x1  }
0x91: {  	v11 =	vld.idx.msk [tilespmem:v11+s23+$0x0], $0xffff;
	_ =	sdelay $0x2  }
0x92: {  	v10 =	vmul.u32 $0x81, v10;
	_ =	sdelay $0x1  }
0x93: {  	v10 =	vadd.s32 v11, v10;
	_ =	sdelay $0x4  }
0x94: {  	[tilespmem:v10+s31+$0x0] =	vst.idx.msk $0xffff, v2  }
0x95: {  	v10 =	vld [tilespmem:$0x6930];
	_ =	sdelay $0x1  }
0x96: {  	v11 =	vld [tilespmem:$0x69B0];
	_ =	sdelay $0x5  }
0x97: {  	v10 =	vld.idx.msk [tilespmem:v10+s6+$0x0], $0xffff;
	_ =	sdelay $0x1  }
0x98: {  	v11 =	vld.idx.msk [tilespmem:v11+s23+$0x0], $0xffff;
	_ =	sdelay $0x2  }
0x99: {  	v10 =	vmul.u32 $0x81, v10;
	_ =	sdelay $0x1  }
0x9a: {  	v10 =	vadd.s32 v11, v10;
	_ =	sdelay $0x4  }
0x9b: {  	[tilespmem:v10+s31+$0x0] =	vst.idx.msk $0xffff, v2  }
0x9c: {  	v10 =	vld [tilespmem:$0x6940];
	_ =	sdelay $0x1  }
0x9d: {  	v11 =	vld [tilespmem:$0x69C0];
	_ =	sdelay $0x5  }
0x9e: {  	v10 =	vld.idx.msk [tilespmem:v10+s6+$0x0], $0xffff;
	_ =	sdelay $0x1  }
0x9f: {  	v11 =	vld.idx.msk [tilespmem:v11+s23+$0x0], $0xffff;
	_ =	sdelay $0x2  }
0xa0: {  	v10 =	vmul.u32 $0x81, v10;
	_ =	sdelay $0x1  }
0xa1: {  	v10 =	vadd.s32 v11, v10;
	_ =	sdelay $0x4  }
0xa2: {  	[tilespmem:v10+s31+$0x0] =	vst.idx.msk $0xffff, v2  }
0xa3: {  	v10 =	vld [tilespmem:$0x6950];
	_ =	sdelay $0x1  }
0xa4: {  	v11 =	vld [tilespmem:$0x69D0];
	_ =	sdelay $0x5  }
0xa5: {  	v10 =	vld.idx.msk [tilespmem:v10+s6+$0x0], $0xffff;
	_ =	sdelay $0x1  }
0xa6: {  	v11 =	vld.idx.msk [tilespmem:v11+s23+$0x0], $0xffff;
	_ =	sdelay $0x2  }
0xa7: {  	v10 =	vmul.u32 $0x81, v10;
	_ =	sdelay $0x1  }
0xa8: {  	v10 =	vadd.s32 v11, v10;
	_ =	sdelay $0x4  }
0xa9: {  	[tilespmem:v10+s31+$0x0] =	vst.idx.msk $0xffff, v2  }
0xaa: {  	v10 =	vld [tilespmem:$0x6960];
	_ =	sdelay $0x1  }
0xab: {  	v11 =	vld [tilespmem:$0x69E0];
	_ =	sdelay $0x5  }
0xac: {  	v10 =	vld.idx.msk [tilespmem:v10+s6+$0x0], $0xffff;
	_ =	sdelay $0x1  }
0xad: {  	v11 =	vld.idx.msk [tilespmem:v11+s23+$0x0], $0xffff;
	_ =	sdelay $0x2  }
0xae: {  	v10 =	vmul.u32 $0x81, v10;
	_ =	sdelay $0x1  }
0xaf: {  	v10 =	vadd.s32 v11, v10;
	_ =	sdelay $0x4  }
0xb0: {  	[tilespmem:v10+s31+$0x0] =	vst.idx.msk $0xffff, v2  }
0xb1: {  	v10 =	vld [tilespmem:$0x6970];
	_ =	sdelay $0x1  }
0xb2: {  	v11 =	vld [tilespmem:$0x69F0];
	_ =	sdelay $0x5  }
0xb3: {  	v10 =	vld.idx.msk [tilespmem:v10+s6+$0x0], $0xffff;
	_ =	sdelay $0x1  }
0xb4: {  	v11 =	vld.idx.msk [tilespmem:v11+s23+$0x0], $0xffff;
	_ =	sdelay $0x2  }
0xb5: {  	v10 =	vmul.u32 $0x81, v10;
	_ =	sdelay $0x1  }
0xb6: {  	v10 =	vadd.s32 v11, v10;
	_ =	sdelay $0x3  }
0xb7: {  	s25 =	simm.s32 $0x55A0  }
0xb8: {  	s5 =	simm.s32 $0x62A0;
	s24 =	simm.s32 $0x5C20;
	s16 =	smov.u32 s26;
	[tilespmem:v10+s31+$0x0] =	vst.idx.msk $0xffff, v2  }
.LBB2_2:
0xb9: {  	v10 =	vld [tilespmem:s24+$0xFFFFFFE0]  }
0xba: {  	v11 =	vld [tilespmem:s25+$0xFFFFFFE0];
	_ =	sdelay $0x2  }
0xbb: {  	v12 =	vld [tilespmem:s5+$0xFFFFFFE0];
	_ =	sdelay $0x3  }
0xbc: {  	v13 =	vld.idx.msk [tilespmem:v10+s6+$0x0], $0xffff  }
0xbd: {  	v15 =	vadd.s32 $0xD0, v12;
	v14 =	vld.idx.msk [tilespmem:v11+s6+$0x0], $0xffff  }
0xbe: {  	v16 =	vadd.s32 $0x1A0, v12;
	v10 =	vld.idx.msk [tilespmem:v10+s23+$0x0], $0xffff  }
0xbf: {  	v17 =	vadd.s32 $0x270, v12;
	v11 =	vld.idx.msk [tilespmem:v11+s23+$0x0], $0xffff  }
0xc0: {  	v18 =	vadd.s32 $0x340, v12  }
0xc1: {  	v19 =	vld.idx.msk [tilespmem:v12+s28+$0x0], $0xffff;
	v12 =	vadd.s32 $0x410, v12;
	vm0 =	vlt.s32 v13, $0x80  }
0xc2: {  	v15 =	vld.idx.msk [tilespmem:v15+s28+$0x0], $0xffff;
	vm1 =	vlt.s32 v14, $0x80  }
0xc3: {  	v16 =	vld.idx.msk [tilespmem:v16+s28+$0x0], $0xffff;
	vm2 =	vlt.s32 v10, $0x80  }
0xc4: {  	v17 =	vld.idx.msk [tilespmem:v17+s28+$0x0], $0xffff;
	vm3 =	vlt.s32 v11, $0x80;
	v20 =	vmul.u32 $0x81, v14  }
0xc5: {  	v18 =	vld.idx.msk [tilespmem:v18+s28+$0x0], $0xffff;
	v21 =	vmul.u32 $0x81, v13;
	vm4 =	vmand vm1, vm2  }
0xc6: {  	v12 =	vld.idx.msk [tilespmem:v12+s28+$0x0], $0xffff;
	vm5 =	vmand vm0, vm3;
	v20 =	vadd.s32 v20, v10  }
0xc7: {  	v42 =	vadd.s32 v11, v21;
	[tilespmem:v13+s3+$0x0] =	vst.idx.add.f32.msk vm0, v19  }
0xc8: {  	[tilespmem:v14+s3+$0x0] =	vst.idx.add.f32.msk vm1, v15  }
0xc9: {  	[tilespmem:v10+s0+$0x0] =	vst.idx.add.f32.msk vm2, v16  }
0xca: {  	[tilespmem:v11+s0+$0x0] =	vst.idx.add.f32.msk vm3, v17  }
0xcb: {  	[tilespmem:v20+s31+$0x0] =	vst.idx.add.f32.msk vm4, v18  }
0xcc: {  	[tilespmem:v42+s31+$0x0] =	vst.idx.add.f32.msk vm5, v12  }
0xcd: {  	v10 =	vld [tilespmem:s24+$0xFFFFFFF0]  }
0xce: {  	v11 =	vld [tilespmem:s25+$0xFFFFFFF0];
	_ =	sdelay $0x2  }
0xcf: {  	v12 =	vld [tilespmem:s5+$0xFFFFFFF0];
	_ =	sdelay $0x3  }
0xd0: {  	v13 =	vld.idx.msk [tilespmem:v10+s6+$0x0], $0xffff  }
0xd1: {  	v43 =	vadd.s32 $0xD0, v12;
	v14 =	vld.idx.msk [tilespmem:v11+s6+$0x0], $0xffff  }
0xd2: {  	v44 =	vadd.s32 $0x1A0, v12;
	v10 =	vld.idx.msk [tilespmem:v10+s23+$0x0], $0xffff  }
0xd3: {  	v45 =	vadd.s32 $0x270, v12;
	v11 =	vld.idx.msk [tilespmem:v11+s23+$0x0], $0xffff  }
0xd4: {  	v46 =	vadd.s32 $0x340, v12  }
0xd5: {  	v19 =	vld.idx.msk [tilespmem:v12+s28+$0x0], $0xffff;
	v12 =	vadd.s32 $0x410, v12;
	vm14 =	vlt.s32 v13, $0x80  }
0xd6: {  	v15 =	vld.idx.msk [tilespmem:v43+s28+$0x0], $0xffff;
	vm15 =	vlt.s32 v14, $0x80  }
0xd7: {  	v16 =	vld.idx.msk [tilespmem:v44+s28+$0x0], $0xffff;
	vm8 =	vlt.s32 v10, $0x80  }
0xd8: {  	v17 =	vld.idx.msk [tilespmem:v45+s28+$0x0], $0xffff;
	vm9 =	vlt.s32 v11, $0x80;
	v47 =	vmul.u32 $0x81, v14  }
0xd9: {  	v18 =	vld.idx.msk [tilespmem:v46+s28+$0x0], $0xffff;
	v48 =	vmul.u32 $0x81, v13;
	vm10 =	vmand vm15, vm8  }
0xda: {  	v12 =	vld.idx.msk [tilespmem:v12+s28+$0x0], $0xffff;
	vm11 =	vmand vm14, vm9;
	v20 =	vadd.s32 v47, v10  }
0xdb: {  	v49 =	vadd.s32 v11, v48;
	[tilespmem:v13+s3+$0x0] =	vst.idx.add.f32.msk vm14, v19  }
0xdc: {  	[tilespmem:v14+s3+$0x0] =	vst.idx.add.f32.msk vm15, v15  }
0xdd: {  	[tilespmem:v10+s0+$0x0] =	vst.idx.add.f32.msk vm8, v16  }
0xde: {  	[tilespmem:v11+s0+$0x0] =	vst.idx.add.f32.msk vm9, v17  }
0xdf: {  	[tilespmem:v20+s31+$0x0] =	vst.idx.add.f32.msk vm10, v18  }
0xe0: {  	[tilespmem:v49+s31+$0x0] =	vst.idx.add.f32.msk vm11, v12  }
0xe1: {  	v10 =	vld [tilespmem:s24+$0x0]  }
0xe2: {  	v11 =	vld [tilespmem:s25+$0x0];
	_ =	sdelay $0x2  }
0xe3: {  	v12 =	vld [tilespmem:s5+$0x0];
	_ =	sdelay $0x3  }
0xe4: {  	v13 =	vld.idx.msk [tilespmem:v10+s6+$0x0], $0xffff  }
0xe5: {  	v50 =	vadd.s32 $0xD0, v12;
	v14 =	vld.idx.msk [tilespmem:v11+s6+$0x0], $0xffff  }
0xe6: {  	v51 =	vadd.s32 $0x1A0, v12;
	v10 =	vld.idx.msk [tilespmem:v10+s23+$0x0], $0xffff  }
0xe7: {  	v52 =	vadd.s32 $0x270, v12;
	v11 =	vld.idx.msk [tilespmem:v11+s23+$0x0], $0xffff  }
0xe8: {  	v53 =	vadd.s32 $0x340, v12  }
0xe9: {  	v19 =	vld.idx.msk [tilespmem:v12+s28+$0x0], $0xffff;
	v12 =	vadd.s32 $0x410, v12;
	vm12 =	vlt.s32 v13, $0x80  }
0xea: {  	v15 =	vld.idx.msk [tilespmem:v50+s28+$0x0], $0xffff;
	vm13 =	vlt.s32 v14, $0x80  }
0xeb: {  	v16 =	vld.idx.msk [tilespmem:v51+s28+$0x0], $0xffff;
	vm14 =	vlt.s32 v10, $0x80  }
0xec: {  	v17 =	vld.idx.msk [tilespmem:v52+s28+$0x0], $0xffff;
	vm15 =	vlt.s32 v11, $0x80;
	v54 =	vmul.u32 $0x81, v14  }
0xed: {  	v18 =	vld.idx.msk [tilespmem:v53+s28+$0x0], $0xffff;
	v55 =	vmul.u32 $0x81, v13;
	vm8 =	vmand vm13, vm14  }
0xee: {  	v12 =	vld.idx.msk [tilespmem:v12+s28+$0x0], $0xffff;
	vm9 =	vmand vm12, vm15;
	v20 =	vadd.s32 v54, v10  }
0xef: {  	v56 =	vadd.s32 v11, v55;
	[tilespmem:v13+s3+$0x0] =	vst.idx.add.f32.msk vm12, v19  }
0xf0: {  	[tilespmem:v14+s3+$0x0] =	vst.idx.add.f32.msk vm13, v15  }
0xf1: {  	[tilespmem:v10+s0+$0x0] =	vst.idx.add.f32.msk vm14, v16  }
0xf2: {  	[tilespmem:v11+s0+$0x0] =	vst.idx.add.f32.msk vm15, v17  }
0xf3: {  	[tilespmem:v20+s31+$0x0] =	vst.idx.add.f32.msk vm8, v18  }
0xf4: {  	[tilespmem:v56+s31+$0x0] =	vst.idx.add.f32.msk vm9, v12  }
0xf5: {  	v10 =	vld [tilespmem:s24+$0x10]  }
0xf6: {  	v11 =	vld [tilespmem:s25+$0x10];
	_ =	sdelay $0x2  }
0xf7: {  	v12 =	vld [tilespmem:s5+$0x10];
	_ =	sdelay $0x3  }
0xf8: {  	v13 =	vld.idx.msk [tilespmem:v10+s6+$0x0], $0xffff  }
0xf9: {  	v57 =	vadd.s32 $0xD0, v12;
	v14 =	vld.idx.msk [tilespmem:v11+s6+$0x0], $0xffff  }
0xfa: {  	v58 =	vadd.s32 $0x1A0, v12;
	v10 =	vld.idx.msk [tilespmem:v10+s23+$0x0], $0xffff  }
0xfb: {  	v59 =	vadd.s32 $0x270, v12;
	v11 =	vld.idx.msk [tilespmem:v11+s23+$0x0], $0xffff  }
0xfc: {  	v60 =	vadd.s32 $0x340, v12  }
0xfd: {  	v19 =	vld.idx.msk [tilespmem:v12+s28+$0x0], $0xffff;
	v12 =	vadd.s32 $0x410, v12;
	vm10 =	vlt.s32 v13, $0x80  }
0xfe: {  	v15 =	vld.idx.msk [tilespmem:v57+s28+$0x0], $0xffff;
	vm11 =	vlt.s32 v14, $0x80  }
0xff: {  	v16 =	vld.idx.msk [tilespmem:v58+s28+$0x0], $0xffff;
	vm12 =	vlt.s32 v10, $0x80  }
0x100: {  	v17 =	vld.idx.msk [tilespmem:v59+s28+$0x0], $0xffff;
	vm13 =	vlt.s32 v11, $0x80;
	v61 =	vmul.u32 $0x81, v14  }
0x101: {  	v18 =	vld.idx.msk [tilespmem:v60+s28+$0x0], $0xffff;
	v62 =	vmul.u32 $0x81, v13;
	vm14 =	vmand vm11, vm12  }
0x102: {  	v12 =	vld.idx.msk [tilespmem:v12+s28+$0x0], $0xffff;
	vm15 =	vmand vm10, vm13;
	v20 =	vadd.s32 v61, v10  }
0x103: {  	p1 =	sne.s32 s16, $0x1;
	v63 =	vadd.s32 v11, v62;
	[tilespmem:v13+s3+$0x0] =	vst.idx.add.f32.msk vm10, v19  }
.Ltmp0:
0x104: {  	[tilespmem:v14+s3+$0x0] =	vst.idx.add.f32.msk vm11, v15;
	(pc) =	sbr.rel @p1 .LBB2_2-.Ltmp0, $4  }
0x105: {  	[tilespmem:v10+s0+$0x0] =	vst.idx.add.f32.msk vm12, v16  }
0x106: {  	[tilespmem:v11+s0+$0x0] =	vst.idx.add.f32.msk vm13, v17  }
0x107: {  	s16 =	sadd.s32 $0xFFFFFFFF, s16;
	[tilespmem:v20+s31+$0x0] =	vst.idx.add.f32.msk vm14, v18  }
0x108: {  	s5 =	sadd.s32 $0x40, s5;
	s24 =	sadd.s32 $0x40, s24;
	s25 =	sadd.s32 $0x40, s25;
	[tilespmem:v63+s31+$0x0] =	vst.idx.add.f32.msk vm15, v12  }
0x109: {  	v10 =	vld [tilespmem:s21+$0x0]  }
0x10a: {  	v11 =	vld [tilespmem:s20+$0x0];
	_ =	sdelay $0x2  }
0x10b: {  	v12 =	vld [tilespmem:s22+$0x0];
	_ =	sdelay $0x3  }
0x10c: {  	v13 =	vld.idx.msk [tilespmem:v10+s6+$0x0], $0xffff  }
0x10d: {  	v15 =	vadd.s32 $0xD0, v12;
	v14 =	vld.idx.msk [tilespmem:v11+s6+$0x0], $0xffff  }
0x10e: {  	v17 =	vadd.s32 $0x270, v12;
	v16 =	vld.idx.msk [tilespmem:v10+s23+$0x0], $0xffff  }
0x10f: {  	v10 =	vadd.s32 $0x1A0, v12;
	v11 =	vld.idx.msk [tilespmem:v11+s23+$0x0], $0xffff  }
0x110: {  	v18 =	vadd.s32 $0x340, v12  }
0x111: {  	v19 =	vadd.s32 $0x410, v12;
	v12 =	vld.idx.msk [tilespmem:v12+s28+$0x0], $0xffff;
	vm0 =	vlt.s32 v13, $0x80  }
0x112: {  	v15 =	vld.idx.msk [tilespmem:v15+s28+$0x0], $0xffff;
	vm1 =	vlt.s32 v14, $0x80  }
0x113: {  	v17 =	vld.idx.msk [tilespmem:v17+s28+$0x0], $0xffff;
	vm2 =	vlt.s32 v16, $0x80  }
0x114: {  	v20 =	vld.idx.msk [tilespmem:v10+s28+$0x0], $0xffff;
	v10 =	vmul.u32 $0x81, v14;
	vm3 =	vlt.s32 v11, $0x80  }
0x115: {  	v18 =	vld.idx.msk [tilespmem:v18+s28+$0x0], $0xffff  }
0x116: {  	v21 =	vadd.s32 v10, v16;
	v10 =	vld.idx.msk [tilespmem:v19+s28+$0x0], $0xffff  }
0x117: {  	[tilespmem:v13+s3+$0x0] =	vst.idx.add.f32.msk vm0, v12  }
0x118: {  	s5 =	sadd.s32 $0x1, s17;
	v63 =	vmul.u32 $0x81, v13;
	vm4 =	vmand vm1, vm2;
	[tilespmem:v14+s3+$0x0] =	vst.idx.add.f32.msk vm1, v15  }
0x119: {  	p1 =	slt.u32 s5, s9;
	vm0 =	vmand vm0, vm3;
	[tilespmem:v16+s0+$0x0] =	vst.idx.add.f32.msk vm2, v20  }
.Ltmp1:
0x11a: {  	[tilespmem:v11+s0+$0x0] =	vst.idx.add.f32.msk vm3, v17;
	v11 =	vadd.s32 v11, v63;
	(pc) =	sbr.rel @!p1 .LBB2_5-.Ltmp1, $2  }
0x11b: {  	_ =	sdelay $0x2  }
0x11c: {  	s16 =	sadd.s32 $0x10, s22;
	s24 =	smov.u32 s20;
	s25 =	smov.u32 s21;
	[tilespmem:v21+s31+$0x0] =	vst.idx.add.f32.msk vm4, v18  }
.LBB2_4:
0x11d: {  	s5 =	sadd.s32 $0x1, s5;
	[tilespmem:v11+s31+$0x0] =	vst.idx.add.f32.msk vm0, v10;
	s24 =	sadd.s32 $0x10, s24;
	s25 =	sadd.s32 $0x10, s25  }
0x11e: {  	v10 =	vld [tilespmem:s25+$0x0];
	p1 =	slt.u32 s5, s9  }
0x11f: {  	v11 =	vld [tilespmem:s24+$0x0];
	_ =	sdelay $0x3  }
0x120: {  	v12 =	vld [tilespmem:s16+$0x0];
	_ =	sdelay $0x2  }
0x121: {  	v13 =	vld.idx.msk [tilespmem:v10+s6+$0x0], $0xffff  }
0x122: {  	v14 =	vld.idx.msk [tilespmem:v11+s6+$0x0], $0xffff  }
0x123: {  	v15 =	vld.idx.msk [tilespmem:v10+s23+$0x0], $0xffff;
	v10 =	vadd.s32 $0xD0, v12;
	v16 =	vadd.s32 $0x1A0, v12;
	v17 =	vadd.s32 $0x270, v12  }
0x124: {  	v19 =	vadd.s32 $0x410, v12;
	v18 =	vld.idx.msk [tilespmem:v11+s23+$0x0], $0xffff;
	v11 =	vadd.s32 $0x340, v12;
	_ =	sdelay $0x2  }
0x125: {  	vm1 =	vlt.s32 v13, $0x80;
	v12 =	vld.idx.msk [tilespmem:v12+s28+$0x0], $0xffff  }
0x126: {  	vm2 =	vlt.s32 v14, $0x80;
	v20 =	vld.idx.msk [tilespmem:v10+s28+$0x0], $0xffff;
	v10 =	vmul.u32 $0x81, v14  }
0x127: {  	vm3 =	vlt.s32 v15, $0x80;
	v16 =	vld.idx.msk [tilespmem:v16+s28+$0x0], $0xffff  }
0x128: {  	vm4 =	vlt.s32 v18, $0x80;
	vm5 =	vmand vm2, vm3;
	v17 =	vld.idx.msk [tilespmem:v17+s28+$0x0], $0xffff;
	v21 =	vadd.s32 v10, v15  }
0x129: {  	vm0 =	vmand vm1, vm4;
	v22 =	vld.idx.msk [tilespmem:v11+s28+$0x0], $0xffff;
	v11 =	vmul.u32 $0x81, v13  }
0x12a: {  	v10 =	vld.idx.msk [tilespmem:v19+s28+$0x0], $0xffff  }
.Ltmp2:
0x12b: {  	[tilespmem:v13+s3+$0x0] =	vst.idx.add.f32.msk vm1, v12;
	v11 =	vadd.s32 v18, v11;
	(pc) =	sbr.rel @p1 .LBB2_4-.Ltmp2, $4  }
0x12c: {  	[tilespmem:v14+s3+$0x0] =	vst.idx.add.f32.msk vm2, v20  }
0x12d: {  	[tilespmem:v15+s0+$0x0] =	vst.idx.add.f32.msk vm3, v16  }
0x12e: {  	[tilespmem:v18+s0+$0x0] =	vst.idx.add.f32.msk vm4, v17  }
0x12f: {  	s16 =	sadd.s32 $0x10, s16;
	[tilespmem:v21+s31+$0x0] =	vst.idx.add.f32.msk vm5, v22  }
.LBB2_5:
0x130: {  	_ =	sdelay $0x4  }
0x131: {  	[tilespmem:v11+s31+$0x0] =	vst.idx.add.f32.msk vm0, v10  }
0x132: {  	v10 =	vld [tilespmem:$0x6900];
	_ =	sdelay $0x1  }
0x133: {  	v11 =	vld [tilespmem:$0x6980];
	_ =	sdelay $0x3  }
0x134: {  	v12 =	vld [tilespmem:$0x6A00];
	_ =	sdelay $0x1  }
0x135: {  	v10 =	vld.idx.msk [tilespmem:v10+s6+$0x0], $0xffff;
	_ =	sdelay $0x1  }
0x136: {  	v11 =	vld.idx.msk [tilespmem:v11+s23+$0x0], $0xffff  }
0x137: {  	v12 =	vadd.s32 $0x4E0, v12;
	_ =	sdelay $0x1  }
0x138: {  	v13 =	vmul.u32 $0x81, v10;
	_ =	sdelay $0x1  }
0x139: {  	v14 =	vld.msk [tilespmem:s29+$0x0], $0xffff;
	v13 =	vadd.s32 v11, v13  }
0x13a: {  	v12 =	vld.idx.msk [tilespmem:v12+s28+$0x0], $0xffff  }
0x13b: {  	v10 =	vld.idx.msk [tilespmem:v10+s3+$0x0], $0xffff  }
0x13c: {  	v11 =	vld.idx.msk [tilespmem:v11+s0+$0x0], $0xffff;
	_ =	sdelay $0x1  }
0x13d: {  	v13 =	vld.idx.msk [tilespmem:v13+s31+$0x0], $0xffff;
	_ =	sdelay $0x1  }
0x13e: {  	v15 =	vld [tilespmem:$0x6910]  }
0x13f: {  	v37 =	vld [tilespmem:$0x6990];
	v10 =	vadd.f32 v11, v10;
	v11 =	vadd.f32 v14, v12;
	_ =	sdelay $0x1  }
0x140: {  	v11 =	vmul.f32 v11, v1;
	v10 =	vadd.f32 v13, v10;
	_ =	sdelay $0x1  }
0x141: {  	v10 =	vadd.f32 v11, v10;
	_ =	sdelay $0x1  }
0x142: {  	[tilespmem:$0xAE80] =	vst v10;
	v10 =	vld [tilespmem:$0x6A10]  }
0x143: {  	v11 =	vld.idx.msk [tilespmem:v15+s6+$0x0], $0xffff  }
0x144: {  	v12 =	vld.idx.msk [tilespmem:v37+s23+$0x0], $0xffff;
	_ =	sdelay $0x3  }
0x145: {  	v10 =	vadd.s32 $0x4E0, v10;
	v38 =	vmul.u32 $0x81, v11;
	_ =	sdelay $0x1  }
0x146: {  	v39 =	vld.msk [tilespmem:s29+$0x0], $0xffff;
	v13 =	vadd.s32 v12, v38  }
0x147: {  	v11 =	vld.idx.msk [tilespmem:v11+s3+$0x0], $0xffff  }
0x148: {  	v12 =	vld.idx.msk [tilespmem:v12+s0+$0x0], $0xffff  }
0x149: {  	v10 =	vld.idx.msk [tilespmem:v10+s28+$0x0], $0xffff;
	_ =	sdelay $0x1  }
0x14a: {  	v13 =	vld.idx.msk [tilespmem:v13+s31+$0x0], $0xffff;
	_ =	sdelay $0x1  }
0x14b: {  	v40 =	vld [tilespmem:$0x6920]  }
0x14c: {  	v41 =	vld [tilespmem:$0x69A0];
	v11 =	vadd.f32 v12, v11;
	v10 =	vadd.f32 v39, v10;
	_ =	sdelay $0x1  }
0x14d: {  	v10 =	vmul.f32 v10, v1;
	v11 =	vadd.f32 v13, v11;
	_ =	sdelay $0x1  }
0x14e: {  	v10 =	vadd.f32 v10, v11;
	_ =	sdelay $0x1  }
0x14f: {  	[tilespmem:$0xAE90] =	vst v10;
	v10 =	vld [tilespmem:$0x6A20]  }
0x150: {  	v11 =	vld.idx.msk [tilespmem:v40+s6+$0x0], $0xffff  }
0x151: {  	v12 =	vld.idx.msk [tilespmem:v41+s23+$0x0], $0xffff;
	_ =	sdelay $0x3  }
0x152: {  	v10 =	vadd.s32 $0x4E0, v10;
	v42 =	vmul.u32 $0x81, v11;
	_ =	sdelay $0x1  }
0x153: {  	v43 =	vld.msk [tilespmem:s29+$0x0], $0xffff;
	v13 =	vadd.s32 v12, v42  }
0x154: {  	v11 =	vld.idx.msk [tilespmem:v11+s3+$0x0], $0xffff  }
0x155: {  	v12 =	vld.idx.msk [tilespmem:v12+s0+$0x0], $0xffff  }
0x156: {  	v10 =	vld.idx.msk [tilespmem:v10+s28+$0x0], $0xffff;
	_ =	sdelay $0x1  }
0x157: {  	v13 =	vld.idx.msk [tilespmem:v13+s31+$0x0], $0xffff;
	_ =	sdelay $0x1  }
0x158: {  	v44 =	vld [tilespmem:$0x6930]  }
0x159: {  	v45 =	vld [tilespmem:$0x69B0];
	v11 =	vadd.f32 v12, v11;
	v10 =	vadd.f32 v43, v10;
	_ =	sdelay $0x1  }
0x15a: {  	v10 =	vmul.f32 v10, v1;
	v11 =	vadd.f32 v13, v11;
	_ =	sdelay $0x1  }
0x15b: {  	v10 =	vadd.f32 v10, v11;
	_ =	sdelay $0x1  }
0x15c: {  	[tilespmem:$0xAEA0] =	vst v10;
	v10 =	vld [tilespmem:$0x6A30]  }
0x15d: {  	v11 =	vld.idx.msk [tilespmem:v44+s6+$0x0], $0xffff  }
0x15e: {  	v12 =	vld.idx.msk [tilespmem:v45+s23+$0x0], $0xffff;
	_ =	sdelay $0x3  }
0x15f: {  	v10 =	vadd.s32 $0x4E0, v10;
	v46 =	vmul.u32 $0x81, v11;
	_ =	sdelay $0x1  }
0x160: {  	v47 =	vld.msk [tilespmem:s29+$0x0], $0xffff;
	v13 =	vadd.s32 v12, v46  }
0x161: {  	v11 =	vld.idx.msk [tilespmem:v11+s3+$0x0], $0xffff  }
0x162: {  	v12 =	vld.idx.msk [tilespmem:v12+s0+$0x0], $0xffff  }
0x163: {  	v10 =	vld.idx.msk [tilespmem:v10+s28+$0x0], $0xffff;
	_ =	sdelay $0x1  }
0x164: {  	v13 =	vld.idx.msk [tilespmem:v13+s31+$0x0], $0xffff;
	_ =	sdelay $0x1  }
0x165: {  	v48 =	vld [tilespmem:$0x6940]  }
0x166: {  	v49 =	vld [tilespmem:$0x69C0];
	v11 =	vadd.f32 v12, v11;
	v10 =	vadd.f32 v47, v10;
	_ =	sdelay $0x1  }
0x167: {  	v10 =	vmul.f32 v10, v1;
	v11 =	vadd.f32 v13, v11;
	_ =	sdelay $0x1  }
0x168: {  	v10 =	vadd.f32 v10, v11;
	_ =	sdelay $0x1  }
0x169: {  	[tilespmem:$0xAEB0] =	vst v10;
	v10 =	vld [tilespmem:$0x6A40]  }
0x16a: {  	v11 =	vld.idx.msk [tilespmem:v48+s6+$0x0], $0xffff  }
0x16b: {  	v12 =	vld.idx.msk [tilespmem:v49+s23+$0x0], $0xffff;
	_ =	sdelay $0x3  }
0x16c: {  	v10 =	vadd.s32 $0x4E0, v10;
	v50 =	vmul.u32 $0x81, v11;
	_ =	sdelay $0x1  }
0x16d: {  	v51 =	vld.msk [tilespmem:s29+$0x0], $0xffff;
	v13 =	vadd.s32 v12, v50  }
0x16e: {  	v11 =	vld.idx.msk [tilespmem:v11+s3+$0x0], $0xffff  }
0x16f: {  	v12 =	vld.idx.msk [tilespmem:v12+s0+$0x0], $0xffff  }
0x170: {  	v10 =	vld.idx.msk [tilespmem:v10+s28+$0x0], $0xffff;
	_ =	sdelay $0x1  }
0x171: {  	v13 =	vld.idx.msk [tilespmem:v13+s31+$0x0], $0xffff;
	_ =	sdelay $0x1  }
0x172: {  	v52 =	vld [tilespmem:$0x6950]  }
0x173: {  	v53 =	vld [tilespmem:$0x69D0];
	v11 =	vadd.f32 v12, v11;
	v10 =	vadd.f32 v51, v10;
	_ =	sdelay $0x1  }
0x174: {  	v10 =	vmul.f32 v10, v1;
	v11 =	vadd.f32 v13, v11;
	_ =	sdelay $0x1  }
0x175: {  	v10 =	vadd.f32 v10, v11;
	_ =	sdelay $0x1  }
0x176: {  	[tilespmem:$0xAEC0] =	vst v10;
	v10 =	vld [tilespmem:$0x6A50]  }
0x177: {  	v11 =	vld.idx.msk [tilespmem:v52+s6+$0x0], $0xffff  }
0x178: {  	v12 =	vld.idx.msk [tilespmem:v53+s23+$0x0], $0xffff;
	_ =	sdelay $0x3  }
0x179: {  	v10 =	vadd.s32 $0x4E0, v10;
	v54 =	vmul.u32 $0x81, v11;
	_ =	sdelay $0x1  }
0x17a: {  	v55 =	vld.msk [tilespmem:s29+$0x0], $0xffff;
	v13 =	vadd.s32 v12, v54  }
0x17b: {  	v11 =	vld.idx.msk [tilespmem:v11+s3+$0x0], $0xffff  }
0x17c: {  	v12 =	vld.idx.msk [tilespmem:v12+s0+$0x0], $0xffff  }
0x17d: {  	v10 =	vld.idx.msk [tilespmem:v10+s28+$0x0], $0xffff;
	_ =	sdelay $0x1  }
0x17e: {  	v13 =	vld.idx.msk [tilespmem:v13+s31+$0x0], $0xffff;
	_ =	sdelay $0x1  }
0x17f: {  	v56 =	vld [tilespmem:$0x6960]  }
0x180: {  	v57 =	vld [tilespmem:$0x69E0];
	v11 =	vadd.f32 v12, v11;
	v10 =	vadd.f32 v55, v10;
	_ =	sdelay $0x1  }
0x181: {  	v10 =	vmul.f32 v10, v1;
	v11 =	vadd.f32 v13, v11;
	_ =	sdelay $0x1  }
0x182: {  	v10 =	vadd.f32 v10, v11;
	_ =	sdelay $0x1  }
0x183: {  	[tilespmem:$0xAED0] =	vst v10;
	v10 =	vld [tilespmem:$0x6A60]  }
0x184: {  	v11 =	vld.idx.msk [tilespmem:v56+s6+$0x0], $0xffff  }
0x185: {  	v12 =	vld.idx.msk [tilespmem:v57+s23+$0x0], $0xffff;
	_ =	sdelay $0x3  }
0x186: {  	v10 =	vadd.s32 $0x4E0, v10;
	v58 =	vmul.u32 $0x81, v11;
	_ =	sdelay $0x1  }
0x187: {  	v59 =	vld.msk [tilespmem:s29+$0x0], $0xffff;
	v13 =	vadd.s32 v12, v58  }
0x188: {  	v11 =	vld.idx.msk [tilespmem:v11+s3+$0x0], $0xffff  }
0x189: {  	v12 =	vld.idx.msk [tilespmem:v12+s0+$0x0], $0xffff  }
0x18a: {  	v10 =	vld.idx.msk [tilespmem:v10+s28+$0x0], $0xffff;
	_ =	sdelay $0x1  }
0x18b: {  	v13 =	vld.idx.msk [tilespmem:v13+s31+$0x0], $0xffff;
	_ =	sdelay $0x1  }
0x18c: {  	v60 =	vld [tilespmem:$0x6970]  }
0x18d: {  	v61 =	vld [tilespmem:$0x69F0];
	v11 =	vadd.f32 v12, v11;
	v10 =	vadd.f32 v59, v10;
	_ =	sdelay $0x1  }
0x18e: {  	v10 =	vmul.f32 v10, v1;
	v11 =	vadd.f32 v13, v11;
	_ =	sdelay $0x1  }
0x18f: {  	v10 =	vadd.f32 v10, v11;
	_ =	sdelay $0x1  }
0x190: {  	[tilespmem:$0xAEE0] =	vst v10;
	v10 =	vld [tilespmem:$0x6A70]  }
0x191: {  	v11 =	vld.idx.msk [tilespmem:v60+s6+$0x0], $0xffff  }
0x192: {  	v12 =	vld.idx.msk [tilespmem:v61+s23+$0x0], $0xffff;
	_ =	sdelay $0x3  }
0x193: {  	v10 =	vadd.s32 $0x4E0, v10;
	v62 =	vmul.u32 $0x81, v11;
	_ =	sdelay $0x1  }
0x194: {  	v63 =	vld.msk [tilespmem:s29+$0x0], $0xffff;
	v13 =	vadd.s32 v12, v62  }
0x195: {  	v11 =	vld.idx.msk [tilespmem:v11+s3+$0x0], $0xffff  }
0x196: {  	v12 =	vld.idx.msk [tilespmem:v12+s0+$0x0], $0xffff  }
0x197: {  	v10 =	vld.idx.msk [tilespmem:v10+s28+$0x0], $0xffff;
	_ =	sdelay $0x1  }
0x198: {  	v13 =	vld.idx.msk [tilespmem:v13+s31+$0x0], $0xffff;
	_ =	sdelay $0x2  }
0x199: {  	v11 =	vadd.f32 v12, v11;
	v10 =	vadd.f32 v63, v10;
	_ =	sdelay $0x1  }
0x19a: {  	v10 =	vmul.f32 v10, v1;
	v11 =	vadd.f32 v13, v11;
	_ =	sdelay $0x1  }
0x19b: {  	s4 =	sadd.s32 $0x1, s4;
	v10 =	vadd.f32 v10, v11  }
0x19c: {  	p1 =	sne.s32 s4, s19  }
.Ltmp3:
0x19d: {  	[tilespmem:$0xAEF0] =	vst v10;
	(pc) =	sbr.rel @p1 .LBB2_1-.Ltmp3, $4  }
0x19e: {  	[hbm4b:s18+s6] =	stream.linear.scatter [tilespmem:s1], [sflag:$0x2], $0x80, $0x38;
	[tilespmem:$0xAF00] =	vst v63  }
0x19f: {  	_ =	swait.ge [sflag:s2], $0x80  }
0x1a0: {  	[sflag:s2] =	ssyncset.done $0x0  }
0x1a1: {  	[sflag:s2] =	ssyncadd.s32 $0xFFFFFF80  }
0x1a2: {  	_ =	sfence.sel $0x180000  }
0x1a3: {  	[bflag:$0x0] =	sbarrier.arrive $0xFFFF  }
0x1a4: {  	_ =	strace $0x90000047  }
0x1a5: {  	s0 =	stileid.u32;
	[bflag:$0x2] =	sbarrier.arrive $0xFFFF  }
0x1a6: {  	p0 =	sne.s32 s0, $0x0;
	s0 =	rddreg [dreg:$0x6]  }
0x1a7: {  	s0 =	sadd.s32 @!p0 $0x100000, s0  }
0x1a8: {  	[sflag:s0] =	ssyncadd.tile.s32 @!p0 $0x1;
	_ =	shalt  }
.Lfunc_end2:
_tile_overlayer_lowered:
.L_overlay_start_2:
0x1a9: {  	(tag) =	ssettag $0x2  }
0x1aa: {  	s0 =	rddreg [dreg:$0x0];
	s2 =	stileid.u32  }
0x1ab: {  	s1 =	rddreg [dreg:$0x1];
	p0 =	sne.s32 s2, $0x0  }
0x1ac: {  	s3 =	rddreg [dreg:$0x2];
	[bflag:$0x3] =	sbarrier.arrive $0xFFFF;
	s2 =	simm.s32 @!p0 $0x1C02  }
0x1ad: {  	[timem:s3], [sflag:s2] =	dma.local @!p0 [hbm:s0], s1  }
0x1ae: {  	s0 =	simm.s32 @!p0 $0x2  }
0x1af: {  	_ =	swait.ge @!p0 [sflag:s0], s1  }
0x1b0: {  	s1 =	ssub.s32 @!p0 $0x0, s1;
	[sflag:s0] =	ssyncset.done @!p0 $0x0  }
0x1b1: {  	[sflag:s0] =	ssyncadd.s32 @!p0 s1  }
0x1b2: {  	[bflag:$0x3] =	sbarrier.arrive $0xFFFF  }
0x1b3: {  	_ =	shalt  }

</sc_bundles>
